<compile_context>
chip_gen: v7x
topology: tpu7x:2x2x1
jax: 0.10.2.dev20260603
libtpu: 0.0.44.dev20260713+nightly
codegen_flags: <defaults>
</compile_context>

<pallas_src>
import jax
import jax.numpy as jnp
from jax import lax
from jax.experimental import pallas as pl
from jax.experimental.pallas import tpu as pltpu
from jax.experimental.pallas import tpu_sc as plsc

_B = 16384
_D = 32
_V = 1000000
_NC = 2
_NS = 16
_L = 16
_NW = _NC * _NS
_BPW = _B // _NW
_WIN = 128
_K = 8
_NSETS = 2
_NB = _BPW // _K
_MAXBASE = (_V // _WIN - 1) * _WIN
_TAIL = _MAXBASE + _WIN


def _sc_body(
    table_hbm, tail_hbm, idx_hbm, out_hbm, idx_v, win_v, w0_v, tail_v, out_v, sem
):
    wid = lax.axis_index("s") * _NC + lax.axis_index("c")
    base = wid * _BPW

    pltpu.sync_copy(idx_hbm.at[pl.ds(base, _BPW)], idx_v.at[pl.ds(0, _BPW)])
    pltpu.sync_copy(table_hbm.at[:, pl.ds(0, _WIN)], w0_v)
    pltpu.sync_copy(tail_hbm, tail_v)

    lanes = lax.iota(jnp.int32, _L)

    def win_base(i):
        iv = idx_v[pl.ds(i, _L)][0]
        b0 = pl.multiple_of(jnp.minimum((iv >> 7) * _WIN, _MAXBASE), _WIN)
        return b0, iv

    def fire(g, p):
        for k in range(_K):
            b0, _ = win_base(g * _K + k)
            pltpu.async_copy(
                table_hbm.at[:, pl.ds(b0, _WIN)], win_v.at[p, k], sem
            )

    def drain_one(g, k, p):
        b0, iv = win_base(g * _K + k)
        pltpu.make_async_copy(
            table_hbm.at[:, pl.ds(b0, _WIN)], win_v.at[p, k], sem
        ).wait()
        return b0, iv

    w0a = plsc.load_gather(w0_v, [lanes, jnp.zeros((_L,), jnp.int32)])
    w0b = plsc.load_gather(w0_v, [lanes + _L, jnp.zeros((_L,), jnp.int32)])

    fire(0, 0)

    def batch_body(g, carry):
        p = g & 1

        @pl.when(g < _NB - 1)
        def _():
            fire(g + 1, 1 - p)

        for k in range(_K):
            b0, iv = drain_one(g, k, p)
            i = g * _K + k
            col = jnp.minimum(iv - b0, _WIN - 1)
            ps = jnp.full((_L,), p)
            ks = jnp.full((_L,), k)
            cs = jnp.full((_L,), col)
            v0 = plsc.load_gather(win_v, [ps, ks, lanes, cs])
            v1 = plsc.load_gather(win_v, [ps, ks, lanes + _L, cs])
            tcs = jnp.full((_L,), jnp.clip(iv - _TAIL, 0, _V - _TAIL - 1))
            t0 = plsc.load_gather(tail_v, [lanes, tcs])
            t1 = plsc.load_gather(tail_v, [lanes + _L, tcs])
            ts = jnp.full((_L,), iv >= _TAIL)
            v0 = jnp.where(ts, t0, v0)
            v1 = jnp.where(ts, t1, v1)
            ms = jnp.full(
                (_L,), jnp.where(iv != 0, jnp.float32(1.0), jnp.float32(0.0))
            )
            bs = jnp.full((_L,), i)
            plsc.store_scatter(out_v, [lanes, bs], v0 * ms + w0a)
            plsc.store_scatter(out_v, [lanes + _L, bs], v1 * ms + w0b)
        return carry

    lax.fori_loop(0, _NB, batch_body, 0)

    pltpu.sync_copy(out_v, out_hbm.at[:, pl.ds(base, _BPW)])


@jax.jit
def kernel(user_identifiers, user_embedding_weight):
    table_t = user_embedding_weight.T
    tail_t = lax.slice(table_t, (0, _TAIL), (_D, _V))
    mesh = plsc.VectorSubcoreMesh(core_axis_name="c", subcore_axis_name="s")
    run = pl.kernel(
        _sc_body,
        out_type=jax.ShapeDtypeStruct((_D, _B), jnp.float32),
        mesh=mesh,
        scratch_types=[
            pltpu.VMEM((_BPW + _L,), jnp.int32),
            pltpu.VMEM((_NSETS, _K, _D, _WIN), jnp.float32),
            pltpu.VMEM((_D, _WIN), jnp.float32),
            pltpu.VMEM((_D, _V - _TAIL), jnp.float32),
            pltpu.VMEM((_D, _BPW), jnp.float32),
            pltpu.SemaphoreType.DMA,
        ],
        compiler_params=pltpu.CompilerParams(needs_layout_passes=False),
    )
    out = run(table_t, tail_t, user_identifiers)
    return out.T.reshape(_B, 1, _D)

# --- scband reference (transcript-rebuilt; emitter-appended) ---
"""Pipeline reference for scband-individual-user-model-74311524155879 (READ-ONLY COPY).

The authoritative reference and input builder live on the scoring server;
editing this copy changes nothing except your own understanding.
"""

import jax, jax.numpy as jnp
import numpy as np

N_USERS = 999999
N_USER_TOKENS = 1
EMBED_DIM = 32
BATCH = 16384


def setup_inputs(seed: int = 0) -> dict:
    key = jax.random.key(seed)
    k1, k2 = jax.random.split(key)
    user_identifiers = jax.random.randint(k1, (BATCH,), 0, N_USERS + 1, dtype=jnp.int32)
    # learned parameter: nn.Embedding((n_users+1)*n_user_tokens, user_embed_dim), uniform(-0.5, 0.5)
    user_embedding_weight = jax.random.uniform(
        k2, ((N_USERS + 1) * N_USER_TOKENS, EMBED_DIM), minval=-0.5, maxval=0.5, dtype=jnp.float32
    )
    return {"user_identifiers": user_identifiers, "user_embedding_weight": user_embedding_weight}


def reference(user_identifiers, user_embedding_weight):
    # user_identifiers: int user ids i (the torch get_user_ids decode step is string I/O,
    # the tensor compute starts from integer user ids).
    B = user_identifiers.shape[0]
    # generic user e^{im}_0 lookup
    generic_ids = jnp.concatenate(
        [jnp.zeros((B,), dtype=user_identifiers.dtype) * N_USER_TOKENS + i for i in range(N_USER_TOKENS)]
    )
    user_embeddings = jnp.take(user_embedding_weight, generic_ids, axis=0)
    user_embeddings = user_embeddings.reshape(N_USER_TOKENS, B, -1).transpose(1, 0, 2)
    # individual user e^{im}_i lookup
    each_ids = jnp.concatenate(
        [user_identifiers * N_USER_TOKENS + i for i in range(N_USER_TOKENS)]
    )
    each_embeddings = jnp.take(user_embedding_weight, each_ids, axis=0)
    each_embeddings = each_embeddings.reshape(N_USER_TOKENS, B, -1).transpose(1, 0, 2)
    # add_generic_user=True path: e_0 + 1[i != 0] * e_i
    mask = (user_identifiers != 0)[:, None, None]
    user_embeddings = user_embeddings + mask * each_embeddings
    return user_embeddings

if __name__ == "__main__":
    import jax
    _d = setup_inputs()
    print(jax.jit(kernel)(*tuple(_d.values())))

</pallas_src>

<mosaic_0001>
#map = affine_map<(d0, d1) -> (0, 0)>
#map1 = affine_map<(d0, d1) -> (0)>
module attributes {stable_mosaic.version = 14 : i64} {
  func.func @_sc_body(%arg0: i32, %arg1: i32, %arg2: memref<32x1000000xf32, #tpu.memory_space<hbm>>, %arg3: memref<32x64xf32, #tpu.memory_space<hbm>>, %arg4: memref<16384xi32, #tpu.memory_space<hbm>>, %arg5: memref<32x16384xf32, #tpu.memory_space<hbm>>, %arg6: memref<528xi32, #tpu.memory_space<vmem>>, %arg7: memref<2x8x32x128xf32, #tpu.memory_space<vmem>>, %arg8: memref<32x128xf32, #tpu.memory_space<vmem>>, %arg9: memref<32x64xf32, #tpu.memory_space<vmem>>, %arg10: memref<32x512xf32, #tpu.memory_space<vmem>>, %arg11: memref<!tpu.dma_semaphore, #tpu.memory_space<semaphore_mem>>) attributes {dimension_semantics = [#tpu.dimension_semantics<core_parallel>, #tpu.dimension_semantics<subcore_parallel>], iteration_bounds = array<i64: 2, 16>, scalar_prefetch = 0 : i64, scratch_operands = 6 : i64, tpu.core_type = #tpu.core_type<sc_vector_subcore>, window_params = [{transform_indices = #map}, {transform_indices = #map}, {transform_indices = #map1}, {transform_indices = #map}]} {
    %mul3A = arith.constant 2 : i32
    %mul3A_0 = arith.muli %arg1, %mul3A : i32
    %add3A = arith.addi %mul3A_0, %arg0 : i32
    %mul3A_1 = arith.constant 512 : i32
    %mul3A_2 = arith.muli %add3A, %mul3A_1 : i32
    "tpu.region"() ({
      %run_scoped3A = tpu.sem_alloc : memref<!tpu.dma_semaphore, #tpu.memory_space<semaphore_mem>>
      %dma_start3A_208 = arith.constant 0 : i32
      %dma_start3A_209 = tpu.memref_slice %arg6[%dma_start3A_208] : memref<528xi32, #tpu.memory_space<vmem>> -> memref<512xi32, #tpu.memory_space<vmem>>
      %dma_start3A_210 = tpu.memref_slice %arg4[%mul3A_2] : memref<16384xi32, #tpu.memory_space<hbm>> -> memref<512xi32, #tpu.memory_space<hbm>>
      %dma_start3A_211 = arith.constant 0 : i32
      %dma_start3A_212 = tpu.memref_slice %arg6[%dma_start3A_211] : memref<528xi32, #tpu.memory_space<vmem>> -> memref<512xi32, #tpu.memory_space<vmem>>
      %dma_start3A_213 = tpu.memref_slice %arg4[%mul3A_2] : memref<16384xi32, #tpu.memory_space<hbm>> -> memref<512xi32, #tpu.memory_space<hbm>>
      tpu.enqueue_dma source(%dma_start3A_213 : memref<512xi32, #tpu.memory_space<hbm>>) target(%dma_start3A_212 : memref<512xi32, #tpu.memory_space<vmem>>) target_semaphore(%run_scoped3A : memref<!tpu.dma_semaphore, #tpu.memory_space<semaphore_mem>>)
      %dma_wait3A = arith.constant 0 : i32
      %dma_wait3A_214 = tpu.memref_slice %arg6[%dma_wait3A] : memref<528xi32, #tpu.memory_space<vmem>> -> memref<512xi32, #tpu.memory_space<vmem>>
      %dma_wait3A_215 = tpu.memref_slice %arg4[%mul3A_2] : memref<16384xi32, #tpu.memory_space<hbm>> -> memref<512xi32, #tpu.memory_space<hbm>>
      %dma_wait3A_216 = arith.constant 0 : i32
      %dma_wait3A_217 = tpu.memref_slice %arg6[%dma_wait3A_216] : memref<528xi32, #tpu.memory_space<vmem>> -> memref<512xi32, #tpu.memory_space<vmem>>
      %dma_wait3A_218 = tpu.memref_slice %arg4[%mul3A_2] : memref<16384xi32, #tpu.memory_space<hbm>> -> memref<512xi32, #tpu.memory_space<hbm>>
      tpu.wait_dma2 semaphore(%run_scoped3A : memref<!tpu.dma_semaphore, #tpu.memory_space<semaphore_mem>>) src(%dma_wait3A_218 : memref<512xi32, #tpu.memory_space<hbm>>) dst(%dma_wait3A_217 : memref<512xi32, #tpu.memory_space<vmem>>)
      tpu.yield
    }) : () -> ()
    "tpu.region"() ({
      %run_scoped3A = tpu.sem_alloc : memref<!tpu.dma_semaphore, #tpu.memory_space<semaphore_mem>>
      %dma_start3A_208 = arith.constant 0 : i32
      %dma_start3A_209 = arith.constant 0 : i32
      %dma_start3A_210 = tpu.memref_slice %arg2[%dma_start3A_208, %dma_start3A_209] : memref<32x1000000xf32, #tpu.memory_space<hbm>> -> memref<32x128xf32, #tpu.memory_space<hbm>>
      %dma_start3A_211 = arith.constant 0 : i32
      %dma_start3A_212 = arith.constant 0 : i32
      %dma_start3A_213 = tpu.memref_slice %arg2[%dma_start3A_211, %dma_start3A_212] : memref<32x1000000xf32, #tpu.memory_space<hbm>> -> memref<32x128xf32, #tpu.memory_space<hbm>>
      tpu.enqueue_dma source(%dma_start3A_213 : memref<32x128xf32, #tpu.memory_space<hbm>>) target(%arg8 : memref<32x128xf32, #tpu.memory_space<vmem>>) target_semaphore(%run_scoped3A : memref<!tpu.dma_semaphore, #tpu.memory_space<semaphore_mem>>)
      %dma_wait3A = arith.constant 0 : i32
      %dma_wait3A_214 = arith.constant 0 : i32
      %dma_wait3A_215 = tpu.memref_slice %arg2[%dma_wait3A, %dma_wait3A_214] : memref<32x1000000xf32, #tpu.memory_space<hbm>> -> memref<32x128xf32, #tpu.memory_space<hbm>>
      %dma_wait3A_216 = arith.constant 0 : i32
      %dma_wait3A_217 = arith.constant 0 : i32
      %dma_wait3A_218 = tpu.memref_slice %arg2[%dma_wait3A_216, %dma_wait3A_217] : memref<32x1000000xf32, #tpu.memory_space<hbm>> -> memref<32x128xf32, #tpu.memory_space<hbm>>
      tpu.wait_dma2 semaphore(%run_scoped3A : memref<!tpu.dma_semaphore, #tpu.memory_space<semaphore_mem>>) src(%dma_wait3A_218 : memref<32x128xf32, #tpu.memory_space<hbm>>) dst(%arg8 : memref<32x128xf32, #tpu.memory_space<vmem>>)
      tpu.yield
    }) : () -> ()
    "tpu.region"() ({
      %run_scoped3A = tpu.sem_alloc : memref<!tpu.dma_semaphore, #tpu.memory_space<semaphore_mem>>
      tpu.enqueue_dma source(%arg3 : memref<32x64xf32, #tpu.memory_space<hbm>>) target(%arg9 : memref<32x64xf32, #tpu.memory_space<vmem>>) target_semaphore(%run_scoped3A : memref<!tpu.dma_semaphore, #tpu.memory_space<semaphore_mem>>)
      tpu.wait_dma2 semaphore(%run_scoped3A : memref<!tpu.dma_semaphore, #tpu.memory_space<semaphore_mem>>) src(%arg3 : memref<32x64xf32, #tpu.memory_space<hbm>>) dst(%arg9 : memref<32x64xf32, #tpu.memory_space<vmem>>)
      tpu.yield
    }) : () -> ()
    %iota3A = tpu.iota {dimensions = array<i32: 0>} : vector<16xi32>
    %broadcast_in_dim3A = arith.constant 0 : i32
    %broadcast_in_dim3A_3 = vector.broadcast %broadcast_in_dim3A : i32 to vector<16xi32>
    %gather3A = tpu.vector_load_idx %arg8[%iota3A, %broadcast_in_dim3A_3] : memref<32x128xf32, #tpu.memory_space<vmem>>[vector<16xi32>, vector<16xi32>], vector<16xf32>,
    %add3A_4 = arith.constant 16 : i32
    %add3A_5 = vector.broadcast %add3A_4 : i32 to vector<16xi32>
    %add3A_6 = arith.addi %iota3A, %add3A_5 : vector<16xi32>
    %broadcast_in_dim3A_7 = arith.constant 0 : i32
    %broadcast_in_dim3A_8 = vector.broadcast %broadcast_in_dim3A_7 : i32 to vector<16xi32>
    %gather3A_9 = tpu.vector_load_idx %arg8[%add3A_6, %broadcast_in_dim3A_8] : memref<32x128xf32, #tpu.memory_space<vmem>>[vector<16xi32>, vector<16xi32>], vector<16xf32>,
    %get3A = arith.constant 0 : index
    %get3A_10 = tpu.vector_load %arg6[%get3A] {strides = array<i32>} : memref<528xi32, #tpu.memory_space<vmem>>, vector<16xi32>,
    %slice3A = vector.extract_strided_slice %get3A_10 {offsets = [0], sizes = [1], strides = [1]} : vector<16xi32> to vector<1xi32>
    %squeeze3A = vector.extract %slice3A[0] : i32 from vector<1xi32>
    %shift_right_arithmetic3A = arith.constant 7 : i32
    %shift_right_arithmetic3A_11 = arith.shrsi %squeeze3A, %shift_right_arithmetic3A : i32
    %mul3A_12 = arith.constant 128 : i32
    %mul3A_13 = arith.muli %shift_right_arithmetic3A_11, %mul3A_12 : i32
    %min3A = arith.constant 999808 : i32
    %min3A_14 = arith.minsi %mul3A_13, %min3A : i32
    %multiple_of3A = tpu.assume_multiple %min3A_14, 128 : i32
    %dma_start3A = arith.constant 0 : i32
    %dma_start3A_15 = arith.constant 0 : i32
    %dma_start3A_16 = arith.constant 0 : i32
    %dma_start3A_17 = arith.constant 0 : i32
    %dma_start3A_18 = tpu.memref_slice %arg7[%dma_start3A, %dma_start3A_15, %dma_start3A_16, %dma_start3A_17] : memref<2x8x32x128xf32, #tpu.memory_space<vmem>> -> memref<1x1x32x128xf32, #tpu.memory_space<vmem>>
    %dma_start3A_19 = tpu.memref_squeeze %dma_start3A_18 : memref<1x1x32x128xf32, #tpu.memory_space<vmem>> -> memref<32x128xf32, #tpu.memory_space<vmem>>
    %dma_start3A_20 = arith.constant 0 : i32
    %dma_start3A_21 = tpu.memref_slice %arg2[%dma_start3A_20, %multiple_of3A] : memref<32x1000000xf32, #tpu.memory_space<hbm>> -> memref<32x128xf32, #tpu.memory_space<hbm>>
    %dma_start3A_22 = arith.constant 0 : i32
    %dma_start3A_23 = arith.constant 0 : i32
    %dma_start3A_24 = tpu.memref_slice %arg7[%dma_start3A, %dma_start3A_15, %dma_start3A_22, %dma_start3A_23] : memref<2x8x32x128xf32, #tpu.memory_space<vmem>> -> memref<1x1x32x128xf32, #tpu.memory_space<vmem>>
    %dma_start3A_25 = tpu.memref_squeeze %dma_start3A_24 : memref<1x1x32x128xf32, #tpu.memory_space<vmem>> -> memref<32x128xf32, #tpu.memory_space<vmem>>
    %dma_start3A_26 = arith.constant 0 : i32
    %dma_start3A_27 = tpu.memref_slice %arg2[%dma_start3A_26, %multiple_of3A] : memref<32x1000000xf32, #tpu.memory_space<hbm>> -> memref<32x128xf32, #tpu.memory_space<hbm>>
    tpu.enqueue_dma source(%dma_start3A_27 : memref<32x128xf32, #tpu.memory_space<hbm>>) target(%dma_start3A_25 : memref<32x128xf32, #tpu.memory_space<vmem>>) target_semaphore(%arg11 : memref<!tpu.dma_semaphore, #tpu.memory_space<semaphore_mem>>)
    %get3A_28 = arith.constant 1 : index
    %get3A_29 = tpu.vector_load %arg6[%get3A_28] {strides = array<i32>} : memref<528xi32, #tpu.memory_space<vmem>>, vector<16xi32>,
    %slice3A_30 = vector.extract_strided_slice %get3A_29 {offsets = [0], sizes = [1], strides = [1]} : vector<16xi32> to vector<1xi32>
    %squeeze3A_31 = vector.extract %slice3A_30[0] : i32 from vector<1xi32>
    %shift_right_arithmetic3A_32 = arith.constant 7 : i32
    %shift_right_arithmetic3A_33 = arith.shrsi %squeeze3A_31, %shift_right_arithmetic3A_32 : i32
    %mul3A_34 = arith.constant 128 : i32
    %mul3A_35 = arith.muli %shift_right_arithmetic3A_33, %mul3A_34 : i32
    %min3A_36 = arith.constant 999808 : i32
    %min3A_37 = arith.minsi %mul3A_35, %min3A_36 : i32
    %multiple_of3A_38 = tpu.assume_multiple %min3A_37, 128 : i32
    %dma_start3A_39 = arith.constant 0 : i32
    %dma_start3A_40 = arith.constant 1 : i32
    %dma_start3A_41 = arith.constant 0 : i32
    %dma_start3A_42 = arith.constant 0 : i32
    %dma_start3A_43 = tpu.memref_slice %arg7[%dma_start3A_39, %dma_start3A_40, %dma_start3A_41, %dma_start3A_42] : memref<2x8x32x128xf32, #tpu.memory_space<vmem>> -> memref<1x1x32x128xf32, #tpu.memory_space<vmem>>
    %dma_start3A_44 = tpu.memref_squeeze %dma_start3A_43 : memref<1x1x32x128xf32, #tpu.memory_space<vmem>> -> memref<32x128xf32, #tpu.memory_space<vmem>>
    %dma_start3A_45 = arith.constant 0 : i32
    %dma_start3A_46 = tpu.memref_slice %arg2[%dma_start3A_45, %multiple_of3A_38] : memref<32x1000000xf32, #tpu.memory_space<hbm>> -> memref<32x128xf32, #tpu.memory_space<hbm>>
    %dma_start3A_47 = arith.constant 0 : i32
    %dma_start3A_48 = arith.constant 0 : i32
    %dma_start3A_49 = tpu.memref_slice %arg7[%dma_start3A_39, %dma_start3A_40, %dma_start3A_47, %dma_start3A_48] : memref<2x8x32x128xf32, #tpu.memory_space<vmem>> -> memref<1x1x32x128xf32, #tpu.memory_space<vmem>>
    %dma_start3A_50 = tpu.memref_squeeze %dma_start3A_49 : memref<1x1x32x128xf32, #tpu.memory_space<vmem>> -> memref<32x128xf32, #tpu.memory_space<vmem>>
    %dma_start3A_51 = arith.constant 0 : i32
    %dma_start3A_52 = tpu.memref_slice %arg2[%dma_start3A_51, %multiple_of3A_38] : memref<32x1000000xf32, #tpu.memory_space<hbm>> -> memref<32x128xf32, #tpu.memory_space<hbm>>
    tpu.enqueue_dma source(%dma_start3A_52 : memref<32x128xf32, #tpu.memory_space<hbm>>) target(%dma_start3A_50 : memref<32x128xf32, #tpu.memory_space<vmem>>) target_semaphore(%arg11 : memref<!tpu.dma_semaphore, #tpu.memory_space<semaphore_mem>>)
    %get3A_53 = arith.constant 2 : index
    %get3A_54 = tpu.vector_load %arg6[%get3A_53] {strides = array<i32>} : memref<528xi32, #tpu.memory_space<vmem>>, vector<16xi32>,
    %slice3A_55 = vector.extract_strided_slice %get3A_54 {offsets = [0], sizes = [1], strides = [1]} : vector<16xi32> to vector<1xi32>
    %squeeze3A_56 = vector.extract %slice3A_55[0] : i32 from vector<1xi32>
    %shift_right_arithmetic3A_57 = arith.constant 7 : i32
    %shift_right_arithmetic3A_58 = arith.shrsi %squeeze3A_56, %shift_right_arithmetic3A_57 : i32
    %mul3A_59 = arith.constant 128 : i32
    %mul3A_60 = arith.muli %shift_right_arithmetic3A_58, %mul3A_59 : i32
    %min3A_61 = arith.constant 999808 : i32
    %min3A_62 = arith.minsi %mul3A_60, %min3A_61 : i32
    %multiple_of3A_63 = tpu.assume_multiple %min3A_62, 128 : i32
    %dma_start3A_64 = arith.constant 0 : i32
    %dma_start3A_65 = arith.constant 2 : i32
    %dma_start3A_66 = arith.constant 0 : i32
    %dma_start3A_67 = arith.constant 0 : i32
    %dma_start3A_68 = tpu.memref_slice %arg7[%dma_start3A_64, %dma_start3A_65, %dma_start3A_66, %dma_start3A_67] : memref<2x8x32x128xf32, #tpu.memory_space<vmem>> -> memref<1x1x32x128xf32, #tpu.memory_space<vmem>>
    %dma_start3A_69 = tpu.memref_squeeze %dma_start3A_68 : memref<1x1x32x128xf32, #tpu.memory_space<vmem>> -> memref<32x128xf32, #tpu.memory_space<vmem>>
    %dma_start3A_70 = arith.constant 0 : i32
    %dma_start3A_71 = tpu.memref_slice %arg2[%dma_start3A_70, %multiple_of3A_63] : memref<32x1000000xf32, #tpu.memory_space<hbm>> -> memref<32x128xf32, #tpu.memory_space<hbm>>
    %dma_start3A_72 = arith.constant 0 : i32
    %dma_start3A_73 = arith.constant 0 : i32
    %dma_start3A_74 = tpu.memref_slice %arg7[%dma_start3A_64, %dma_start3A_65, %dma_start3A_72, %dma_start3A_73] : memref<2x8x32x128xf32, #tpu.memory_space<vmem>> -> memref<1x1x32x128xf32, #tpu.memory_space<vmem>>
    %dma_start3A_75 = tpu.memref_squeeze %dma_start3A_74 : memref<1x1x32x128xf32, #tpu.memory_space<vmem>> -> memref<32x128xf32, #tpu.memory_space<vmem>>
    %dma_start3A_76 = arith.constant 0 : i32
    %dma_start3A_77 = tpu.memref_slice %arg2[%dma_start3A_76, %multiple_of3A_63] : memref<32x1000000xf32, #tpu.memory_space<hbm>> -> memref<32x128xf32, #tpu.memory_space<hbm>>
    tpu.enqueue_dma source(%dma_start3A_77 : memref<32x128xf32, #tpu.memory_space<hbm>>) target(%dma_start3A_75 : memref<32x128xf32, #tpu.memory_space<vmem>>) target_semaphore(%arg11 : memref<!tpu.dma_semaphore, #tpu.memory_space<semaphore_mem>>)
    %get3A_78 = arith.constant 3 : index
    %get3A_79 = tpu.vector_load %arg6[%get3A_78] {strides = array<i32>} : memref<528xi32, #tpu.memory_space<vmem>>, vector<16xi32>,
    %slice3A_80 = vector.extract_strided_slice %get3A_79 {offsets = [0], sizes = [1], strides = [1]} : vector<16xi32> to vector<1xi32>
    %squeeze3A_81 = vector.extract %slice3A_80[0] : i32 from vector<1xi32>
    %shift_right_arithmetic3A_82 = arith.constant 7 : i32
    %shift_right_arithmetic3A_83 = arith.shrsi %squeeze3A_81, %shift_right_arithmetic3A_82 : i32
    %mul3A_84 = arith.constant 128 : i32
    %mul3A_85 = arith.muli %shift_right_arithmetic3A_83, %mul3A_84 : i32
    %min3A_86 = arith.constant 999808 : i32
    %min3A_87 = arith.minsi %mul3A_85, %min3A_86 : i32
    %multiple_of3A_88 = tpu.assume_multiple %min3A_87, 128 : i32
    %dma_start3A_89 = arith.constant 0 : i32
    %dma_start3A_90 = arith.constant 3 : i32
    %dma_start3A_91 = arith.constant 0 : i32
    %dma_start3A_92 = arith.constant 0 : i32
    %dma_start3A_93 = tpu.memref_slice %arg7[%dma_start3A_89, %dma_start3A_90, %dma_start3A_91, %dma_start3A_92] : memref<2x8x32x128xf32, #tpu.memory_space<vmem>> -> memref<1x1x32x128xf32, #tpu.memory_space<vmem>>
    %dma_start3A_94 = tpu.memref_squeeze %dma_start3A_93 : memref<1x1x32x128xf32, #tpu.memory_space<vmem>> -> memref<32x128xf32, #tpu.memory_space<vmem>>
    %dma_start3A_95 = arith.constant 0 : i32
    %dma_start3A_96 = tpu.memref_slice %arg2[%dma_start3A_95, %multiple_of3A_88] : memref<32x1000000xf32, #tpu.memory_space<hbm>> -> memref<32x128xf32, #tpu.memory_space<hbm>>
    %dma_start3A_97 = arith.constant 0 : i32
    %dma_start3A_98 = arith.constant 0 : i32
    %dma_start3A_99 = tpu.memref_slice %arg7[%dma_start3A_89, %dma_start3A_90, %dma_start3A_97, %dma_start3A_98] : memref<2x8x32x128xf32, #tpu.memory_space<vmem>> -> memref<1x1x32x128xf32, #tpu.memory_space<vmem>>
    %dma_start3A_100 = tpu.memref_squeeze %dma_start3A_99 : memref<1x1x32x128xf32, #tpu.memory_space<vmem>> -> memref<32x128xf32, #tpu.memory_space<vmem>>
    %dma_start3A_101 = arith.constant 0 : i32
    %dma_start3A_102 = tpu.memref_slice %arg2[%dma_start3A_101, %multiple_of3A_88] : memref<32x1000000xf32, #tpu.memory_space<hbm>> -> memref<32x128xf32, #tpu.memory_space<hbm>>
    tpu.enqueue_dma source(%dma_start3A_102 : memref<32x128xf32, #tpu.memory_space<hbm>>) target(%dma_start3A_100 : memref<32x128xf32, #tpu.memory_space<vmem>>) target_semaphore(%arg11 : memref<!tpu.dma_semaphore, #tpu.memory_space<semaphore_mem>>)
    %get3A_103 = arith.constant 4 : index
    %get3A_104 = tpu.vector_load %arg6[%get3A_103] {strides = array<i32>} : memref<528xi32, #tpu.memory_space<vmem>>, vector<16xi32>,
    %slice3A_105 = vector.extract_strided_slice %get3A_104 {offsets = [0], sizes = [1], strides = [1]} : vector<16xi32> to vector<1xi32>
    %squeeze3A_106 = vector.extract %slice3A_105[0] : i32 from vector<1xi32>
    %shift_right_arithmetic3A_107 = arith.constant 7 : i32
    %shift_right_arithmetic3A_108 = arith.shrsi %squeeze3A_106, %shift_right_arithmetic3A_107 : i32
    %mul3A_109 = arith.constant 128 : i32
    %mul3A_110 = arith.muli %shift_right_arithmetic3A_108, %mul3A_109 : i32
    %min3A_111 = arith.constant 999808 : i32
    %min3A_112 = arith.minsi %mul3A_110, %min3A_111 : i32
    %multiple_of3A_113 = tpu.assume_multiple %min3A_112, 128 : i32
    %dma_start3A_114 = arith.constant 0 : i32
    %dma_start3A_115 = arith.constant 4 : i32
    %dma_start3A_116 = arith.constant 0 : i32
    %dma_start3A_117 = arith.constant 0 : i32
    %dma_start3A_118 = tpu.memref_slice %arg7[%dma_start3A_114, %dma_start3A_115, %dma_start3A_116, %dma_start3A_117] : memref<2x8x32x128xf32, #tpu.memory_space<vmem>> -> memref<1x1x32x128xf32, #tpu.memory_space<vmem>>
    %dma_start3A_119 = tpu.memref_squeeze %dma_start3A_118 : memref<1x1x32x128xf32, #tpu.memory_space<vmem>> -> memref<32x128xf32, #tpu.memory_space<vmem>>
    %dma_start3A_120 = arith.constant 0 : i32
    %dma_start3A_121 = tpu.memref_slice %arg2[%dma_start3A_120, %multiple_of3A_113] : memref<32x1000000xf32, #tpu.memory_space<hbm>> -> memref<32x128xf32, #tpu.memory_space<hbm>>
    %dma_start3A_122 = arith.constant 0 : i32
    %dma_start3A_123 = arith.constant 0 : i32
    %dma_start3A_124 = tpu.memref_slice %arg7[%dma_start3A_114, %dma_start3A_115, %dma_start3A_122, %dma_start3A_123] : memref<2x8x32x128xf32, #tpu.memory_space<vmem>> -> memref<1x1x32x128xf32, #tpu.memory_space<vmem>>
    %dma_start3A_125 = tpu.memref_squeeze %dma_start3A_124 : memref<1x1x32x128xf32, #tpu.memory_space<vmem>> -> memref<32x128xf32, #tpu.memory_space<vmem>>
    %dma_start3A_126 = arith.constant 0 : i32
    %dma_start3A_127 = tpu.memref_slice %arg2[%dma_start3A_126, %multiple_of3A_113] : memref<32x1000000xf32, #tpu.memory_space<hbm>> -> memref<32x128xf32, #tpu.memory_space<hbm>>
    tpu.enqueue_dma source(%dma_start3A_127 : memref<32x128xf32, #tpu.memory_space<hbm>>) target(%dma_start3A_125 : memref<32x128xf32, #tpu.memory_space<vmem>>) target_semaphore(%arg11 : memref<!tpu.dma_semaphore, #tpu.memory_space<semaphore_mem>>)
    %get3A_128 = arith.constant 5 : index
    %get3A_129 = tpu.vector_load %arg6[%get3A_128] {strides = array<i32>} : memref<528xi32, #tpu.memory_space<vmem>>, vector<16xi32>,
    %slice3A_130 = vector.extract_strided_slice %get3A_129 {offsets = [0], sizes = [1], strides = [1]} : vector<16xi32> to vector<1xi32>
    %squeeze3A_131 = vector.extract %slice3A_130[0] : i32 from vector<1xi32>
    %shift_right_arithmetic3A_132 = arith.constant 7 : i32
    %shift_right_arithmetic3A_133 = arith.shrsi %squeeze3A_131, %shift_right_arithmetic3A_132 : i32
    %mul3A_134 = arith.constant 128 : i32
    %mul3A_135 = arith.muli %shift_right_arithmetic3A_133, %mul3A_134 : i32
    %min3A_136 = arith.constant 999808 : i32
    %min3A_137 = arith.minsi %mul3A_135, %min3A_136 : i32
    %multiple_of3A_138 = tpu.assume_multiple %min3A_137, 128 : i32
    %dma_start3A_139 = arith.constant 0 : i32
    %dma_start3A_140 = arith.constant 5 : i32
    %dma_start3A_141 = arith.constant 0 : i32
    %dma_start3A_142 = arith.constant 0 : i32
    %dma_start3A_143 = tpu.memref_slice %arg7[%dma_start3A_139, %dma_start3A_140, %dma_start3A_141, %dma_start3A_142] : memref<2x8x32x128xf32, #tpu.memory_space<vmem>> -> memref<1x1x32x128xf32, #tpu.memory_space<vmem>>
    %dma_start3A_144 = tpu.memref_squeeze %dma_start3A_143 : memref<1x1x32x128xf32, #tpu.memory_space<vmem>> -> memref<32x128xf32, #tpu.memory_space<vmem>>
    %dma_start3A_145 = arith.constant 0 : i32
    %dma_start3A_146 = tpu.memref_slice %arg2[%dma_start3A_145, %multiple_of3A_138] : memref<32x1000000xf32, #tpu.memory_space<hbm>> -> memref<32x128xf32, #tpu.memory_space<hbm>>
    %dma_start3A_147 = arith.constant 0 : i32
    %dma_start3A_148 = arith.constant 0 : i32
    %dma_start3A_149 = tpu.memref_slice %arg7[%dma_start3A_139, %dma_start3A_140, %dma_start3A_147, %dma_start3A_148] : memref<2x8x32x128xf32, #tpu.memory_space<vmem>> -> memref<1x1x32x128xf32, #tpu.memory_space<vmem>>
    %dma_start3A_150 = tpu.memref_squeeze %dma_start3A_149 : memref<1x1x32x128xf32, #tpu.memory_space<vmem>> -> memref<32x128xf32, #tpu.memory_space<vmem>>
    %dma_start3A_151 = arith.constant 0 : i32
    %dma_start3A_152 = tpu.memref_slice %arg2[%dma_start3A_151, %multiple_of3A_138] : memref<32x1000000xf32, #tpu.memory_space<hbm>> -> memref<32x128xf32, #tpu.memory_space<hbm>>
    tpu.enqueue_dma source(%dma_start3A_152 : memref<32x128xf32, #tpu.memory_space<hbm>>) target(%dma_start3A_150 : memref<32x128xf32, #tpu.memory_space<vmem>>) target_semaphore(%arg11 : memref<!tpu.dma_semaphore, #tpu.memory_space<semaphore_mem>>)
    %get3A_153 = arith.constant 6 : index
    %get3A_154 = tpu.vector_load %arg6[%get3A_153] {strides = array<i32>} : memref<528xi32, #tpu.memory_space<vmem>>, vector<16xi32>,
    %slice3A_155 = vector.extract_strided_slice %get3A_154 {offsets = [0], sizes = [1], strides = [1]} : vector<16xi32> to vector<1xi32>
    %squeeze3A_156 = vector.extract %slice3A_155[0] : i32 from vector<1xi32>
    %shift_right_arithmetic3A_157 = arith.constant 7 : i32
    %shift_right_arithmetic3A_158 = arith.shrsi %squeeze3A_156, %shift_right_arithmetic3A_157 : i32
    %mul3A_159 = arith.constant 128 : i32
    %mul3A_160 = arith.muli %shift_right_arithmetic3A_158, %mul3A_159 : i32
    %min3A_161 = arith.constant 999808 : i32
    %min3A_162 = arith.minsi %mul3A_160, %min3A_161 : i32
    %multiple_of3A_163 = tpu.assume_multiple %min3A_162, 128 : i32
    %dma_start3A_164 = arith.constant 0 : i32
    %dma_start3A_165 = arith.constant 6 : i32
    %dma_start3A_166 = arith.constant 0 : i32
    %dma_start3A_167 = arith.constant 0 : i32
    %dma_start3A_168 = tpu.memref_slice %arg7[%dma_start3A_164, %dma_start3A_165, %dma_start3A_166, %dma_start3A_167] : memref<2x8x32x128xf32, #tpu.memory_space<vmem>> -> memref<1x1x32x128xf32, #tpu.memory_space<vmem>>
    %dma_start3A_169 = tpu.memref_squeeze %dma_start3A_168 : memref<1x1x32x128xf32, #tpu.memory_space<vmem>> -> memref<32x128xf32, #tpu.memory_space<vmem>>
    %dma_start3A_170 = arith.constant 0 : i32
    %dma_start3A_171 = tpu.memref_slice %arg2[%dma_start3A_170, %multiple_of3A_163] : memref<32x1000000xf32, #tpu.memory_space<hbm>> -> memref<32x128xf32, #tpu.memory_space<hbm>>
    %dma_start3A_172 = arith.constant 0 : i32
    %dma_start3A_173 = arith.constant 0 : i32
    %dma_start3A_174 = tpu.memref_slice %arg7[%dma_start3A_164, %dma_start3A_165, %dma_start3A_172, %dma_start3A_173] : memref<2x8x32x128xf32, #tpu.memory_space<vmem>> -> memref<1x1x32x128xf32, #tpu.memory_space<vmem>>
    %dma_start3A_175 = tpu.memref_squeeze %dma_start3A_174 : memref<1x1x32x128xf32, #tpu.memory_space<vmem>> -> memref<32x128xf32, #tpu.memory_space<vmem>>
    %dma_start3A_176 = arith.constant 0 : i32
    %dma_start3A_177 = tpu.memref_slice %arg2[%dma_start3A_176, %multiple_of3A_163] : memref<32x1000000xf32, #tpu.memory_space<hbm>> -> memref<32x128xf32, #tpu.memory_space<hbm>>
    tpu.enqueue_dma source(%dma_start3A_177 : memref<32x128xf32, #tpu.memory_space<hbm>>) target(%dma_start3A_175 : memref<32x128xf32, #tpu.memory_space<vmem>>) target_semaphore(%arg11 : memref<!tpu.dma_semaphore, #tpu.memory_space<semaphore_mem>>)
    %get3A_178 = arith.constant 7 : index
    %get3A_179 = tpu.vector_load %arg6[%get3A_178] {strides = array<i32>} : memref<528xi32, #tpu.memory_space<vmem>>, vector<16xi32>,
    %slice3A_180 = vector.extract_strided_slice %get3A_179 {offsets = [0], sizes = [1], strides = [1]} : vector<16xi32> to vector<1xi32>
    %squeeze3A_181 = vector.extract %slice3A_180[0] : i32 from vector<1xi32>
    %shift_right_arithmetic3A_182 = arith.constant 7 : i32
    %shift_right_arithmetic3A_183 = arith.shrsi %squeeze3A_181, %shift_right_arithmetic3A_182 : i32
    %mul3A_184 = arith.constant 128 : i32
    %mul3A_185 = arith.muli %shift_right_arithmetic3A_183, %mul3A_184 : i32
    %min3A_186 = arith.constant 999808 : i32
    %min3A_187 = arith.minsi %mul3A_185, %min3A_186 : i32
    %multiple_of3A_188 = tpu.assume_multiple %min3A_187, 128 : i32
    %dma_start3A_189 = arith.constant 0 : i32
    %dma_start3A_190 = arith.constant 7 : i32
    %dma_start3A_191 = arith.constant 0 : i32
    %dma_start3A_192 = arith.constant 0 : i32
    %dma_start3A_193 = tpu.memref_slice %arg7[%dma_start3A_189, %dma_start3A_190, %dma_start3A_191, %dma_start3A_192] : memref<2x8x32x128xf32, #tpu.memory_space<vmem>> -> memref<1x1x32x128xf32, #tpu.memory_space<vmem>>
    %dma_start3A_194 = tpu.memref_squeeze %dma_start3A_193 : memref<1x1x32x128xf32, #tpu.memory_space<vmem>> -> memref<32x128xf32, #tpu.memory_space<vmem>>
    %dma_start3A_195 = arith.constant 0 : i32
    %dma_start3A_196 = tpu.memref_slice %arg2[%dma_start3A_195, %multiple_of3A_188] : memref<32x1000000xf32, #tpu.memory_space<hbm>> -> memref<32x128xf32, #tpu.memory_space<hbm>>
    %dma_start3A_197 = arith.constant 0 : i32
    %dma_start3A_198 = arith.constant 0 : i32
    %dma_start3A_199 = tpu.memref_slice %arg7[%dma_start3A_189, %dma_start3A_190, %dma_start3A_197, %dma_start3A_198] : memref<2x8x32x128xf32, #tpu.memory_space<vmem>> -> memref<1x1x32x128xf32, #tpu.memory_space<vmem>>
    %dma_start3A_200 = tpu.memref_squeeze %dma_start3A_199 : memref<1x1x32x128xf32, #tpu.memory_space<vmem>> -> memref<32x128xf32, #tpu.memory_space<vmem>>
    %dma_start3A_201 = arith.constant 0 : i32
    %dma_start3A_202 = tpu.memref_slice %arg2[%dma_start3A_201, %multiple_of3A_188] : memref<32x1000000xf32, #tpu.memory_space<hbm>> -> memref<32x128xf32, #tpu.memory_space<hbm>>
    tpu.enqueue_dma source(%dma_start3A_202 : memref<32x128xf32, #tpu.memory_space<hbm>>) target(%dma_start3A_200 : memref<32x128xf32, #tpu.memory_space<vmem>>) target_semaphore(%arg11 : memref<!tpu.dma_semaphore, #tpu.memory_space<semaphore_mem>>)
    %scan3A = arith.constant 0 : i32
    %scan3A_203 = arith.constant 0 : i32
    %scan3A_204 = arith.constant 64 : i32
    %scan3A_205 = arith.addi %scan3A_203, %scan3A_204 : i32
    %scan3A_206 = arith.constant 1 : i32
    scf.for %scan3A_208 = %scan3A_203 to %scan3A_205 step %scan3A_206  : i32 {
      %and3A = arith.constant 1 : i32
      %and3A_209 = arith.andi %scan3A_208, %and3A : i32
      %lt3A = arith.constant 63 : i32
      %lt3A_210 = arith.cmpi slt, %scan3A_208, %lt3A : i32
      %convert_element_type3A = arith.extui %lt3A_210 : i1 to i32
      %cond3A = arith.constant 0 : i32
      %cond3A_211 = arith.cmpi ne, %convert_element_type3A, %cond3A : i32
      scf.if %cond3A_211 {
        %add3A_805 = arith.constant 1 : i32
        %add3A_806 = arith.addi %scan3A_208, %add3A_805 : i32
        %sub3A_807 = arith.constant 1 : i32
        %sub3A_808 = arith.subi %sub3A_807, %and3A_209 : i32
        %mul3A_809 = arith.constant 8 : i32
        %mul3A_810 = arith.muli %add3A_806, %mul3A_809 : i32
        %add3A_811 = arith.constant 0 : i32
        %add3A_812 = arith.addi %mul3A_810, %add3A_811 : i32
        %get3A_813 = arith.index_cast %add3A_812 : i32 to index
        %get3A_814 = tpu.vector_load %arg6[%get3A_813] {strides = array<i32>} : memref<528xi32, #tpu.memory_space<vmem>>, vector<16xi32>,
        %slice3A_815 = vector.extract_strided_slice %get3A_814 {offsets = [0], sizes = [1], strides = [1]} : vector<16xi32> to vector<1xi32>
        %squeeze3A_816 = vector.extract %slice3A_815[0] : i32 from vector<1xi32>
        %shift_right_arithmetic3A_817 = arith.constant 7 : i32
        %shift_right_arithmetic3A_818 = arith.shrsi %squeeze3A_816, %shift_right_arithmetic3A_817 : i32
        %mul3A_819 = arith.constant 128 : i32
        %mul3A_820 = arith.muli %shift_right_arithmetic3A_818, %mul3A_819 : i32
        %min3A_821 = arith.constant 999808 : i32
        %min3A_822 = arith.minsi %mul3A_820, %min3A_821 : i32
        %multiple_of3A_823 = tpu.assume_multiple %min3A_822, 128 : i32
        %dma_start3A_824 = arith.constant 0 : i32
        %dma_start3A_825 = arith.constant 0 : i32
        %dma_start3A_826 = arith.constant 0 : i32
        %dma_start3A_827 = tpu.memref_slice %arg7[%sub3A_808, %dma_start3A_824, %dma_start3A_825, %dma_start3A_826] : memref<2x8x32x128xf32, #tpu.memory_space<vmem>> -> memref<1x1x32x128xf32, #tpu.memory_space<vmem>>
        %dma_start3A_828 = tpu.memref_squeeze %dma_start3A_827 : memref<1x1x32x128xf32, #tpu.memory_space<vmem>> -> memref<32x128xf32, #tpu.memory_space<vmem>>
        %dma_start3A_829 = arith.constant 0 : i32
        %dma_start3A_830 = tpu.memref_slice %arg2[%dma_start3A_829, %multiple_of3A_823] : memref<32x1000000xf32, #tpu.memory_space<hbm>> -> memref<32x128xf32, #tpu.memory_space<hbm>>
        %dma_start3A_831 = arith.constant 0 : i32
        %dma_start3A_832 = arith.constant 0 : i32
        %dma_start3A_833 = tpu.memref_slice %arg7[%sub3A_808, %dma_start3A_824, %dma_start3A_831, %dma_start3A_832] : memref<2x8x32x128xf32, #tpu.memory_space<vmem>> -> memref<1x1x32x128xf32, #tpu.memory_space<vmem>>
        %dma_start3A_834 = tpu.memref_squeeze %dma_start3A_833 : memref<1x1x32x128xf32, #tpu.memory_space<vmem>> -> memref<32x128xf32, #tpu.memory_space<vmem>>
        %dma_start3A_835 = arith.constant 0 : i32
        %dma_start3A_836 = tpu.memref_slice %arg2[%dma_start3A_835, %multiple_of3A_823] : memref<32x1000000xf32, #tpu.memory_space<hbm>> -> memref<32x128xf32, #tpu.memory_space<hbm>>
        tpu.enqueue_dma source(%dma_start3A_836 : memref<32x128xf32, #tpu.memory_space<hbm>>) target(%dma_start3A_834 : memref<32x128xf32, #tpu.memory_space<vmem>>) target_semaphore(%arg11 : memref<!tpu.dma_semaphore, #tpu.memory_space<semaphore_mem>>)
        %mul3A_837 = arith.constant 8 : i32
        %mul3A_838 = arith.muli %add3A_806, %mul3A_837 : i32
        %add3A_839 = arith.constant 1 : i32
        %add3A_840 = arith.addi %mul3A_838, %add3A_839 : i32
        %get3A_841 = arith.index_cast %add3A_840 : i32 to index
        %get3A_842 = tpu.vector_load %arg6[%get3A_841] {strides = array<i32>} : memref<528xi32, #tpu.memory_space<vmem>>, vector<16xi32>,
        %slice3A_843 = vector.extract_strided_slice %get3A_842 {offsets = [0], sizes = [1], strides = [1]} : vector<16xi32> to vector<1xi32>
        %squeeze3A_844 = vector.extract %slice3A_843[0] : i32 from vector<1xi32>
        %shift_right_arithmetic3A_845 = arith.constant 7 : i32
        %shift_right_arithmetic3A_846 = arith.shrsi %squeeze3A_844, %shift_right_arithmetic3A_845 : i32
        %mul3A_847 = arith.constant 128 : i32
        %mul3A_848 = arith.muli %shift_right_arithmetic3A_846, %mul3A_847 : i32
        %min3A_849 = arith.constant 999808 : i32
        %min3A_850 = arith.minsi %mul3A_848, %min3A_849 : i32
        %multiple_of3A_851 = tpu.assume_multiple %min3A_850, 128 : i32
        %dma_start3A_852 = arith.constant 1 : i32
        %dma_start3A_853 = arith.constant 0 : i32
        %dma_start3A_854 = arith.constant 0 : i32
        %dma_start3A_855 = tpu.memref_slice %arg7[%sub3A_808, %dma_start3A_852, %dma_start3A_853, %dma_start3A_854] : memref<2x8x32x128xf32, #tpu.memory_space<vmem>> -> memref<1x1x32x128xf32, #tpu.memory_space<vmem>>
        %dma_start3A_856 = tpu.memref_squeeze %dma_start3A_855 : memref<1x1x32x128xf32, #tpu.memory_space<vmem>> -> memref<32x128xf32, #tpu.memory_space<vmem>>
        %dma_start3A_857 = arith.constant 0 : i32
        %dma_start3A_858 = tpu.memref_slice %arg2[%dma_start3A_857, %multiple_of3A_851] : memref<32x1000000xf32, #tpu.memory_space<hbm>> -> memref<32x128xf32, #tpu.memory_space<hbm>>
        %dma_start3A_859 = arith.constant 0 : i32
        %dma_start3A_860 = arith.constant 0 : i32
        %dma_start3A_861 = tpu.memref_slice %arg7[%sub3A_808, %dma_start3A_852, %dma_start3A_859, %dma_start3A_860] : memref<2x8x32x128xf32, #tpu.memory_space<vmem>> -> memref<1x1x32x128xf32, #tpu.memory_space<vmem>>
        %dma_start3A_862 = tpu.memref_squeeze %dma_start3A_861 : memref<1x1x32x128xf32, #tpu.memory_space<vmem>> -> memref<32x128xf32, #tpu.memory_space<vmem>>
        %dma_start3A_863 = arith.constant 0 : i32
        %dma_start3A_864 = tpu.memref_slice %arg2[%dma_start3A_863, %multiple_of3A_851] : memref<32x1000000xf32, #tpu.memory_space<hbm>> -> memref<32x128xf32, #tpu.memory_space<hbm>>
        tpu.enqueue_dma source(%dma_start3A_864 : memref<32x128xf32, #tpu.memory_space<hbm>>) target(%dma_start3A_862 : memref<32x128xf32, #tpu.memory_space<vmem>>) target_semaphore(%arg11 : memref<!tpu.dma_semaphore, #tpu.memory_space<semaphore_mem>>)
        %mul3A_865 = arith.constant 8 : i32
        %mul3A_866 = arith.muli %add3A_806, %mul3A_865 : i32
        %add3A_867 = arith.constant 2 : i32
        %add3A_868 = arith.addi %mul3A_866, %add3A_867 : i32
        %get3A_869 = arith.index_cast %add3A_868 : i32 to index
        %get3A_870 = tpu.vector_load %arg6[%get3A_869] {strides = array<i32>} : memref<528xi32, #tpu.memory_space<vmem>>, vector<16xi32>,
        %slice3A_871 = vector.extract_strided_slice %get3A_870 {offsets = [0], sizes = [1], strides = [1]} : vector<16xi32> to vector<1xi32>
        %squeeze3A_872 = vector.extract %slice3A_871[0] : i32 from vector<1xi32>
        %shift_right_arithmetic3A_873 = arith.constant 7 : i32
        %shift_right_arithmetic3A_874 = arith.shrsi %squeeze3A_872, %shift_right_arithmetic3A_873 : i32
        %mul3A_875 = arith.constant 128 : i32
        %mul3A_876 = arith.muli %shift_right_arithmetic3A_874, %mul3A_875 : i32
        %min3A_877 = arith.constant 999808 : i32
        %min3A_878 = arith.minsi %mul3A_876, %min3A_877 : i32
        %multiple_of3A_879 = tpu.assume_multiple %min3A_878, 128 : i32
        %dma_start3A_880 = arith.constant 2 : i32
        %dma_start3A_881 = arith.constant 0 : i32
        %dma_start3A_882 = arith.constant 0 : i32
        %dma_start3A_883 = tpu.memref_slice %arg7[%sub3A_808, %dma_start3A_880, %dma_start3A_881, %dma_start3A_882] : memref<2x8x32x128xf32, #tpu.memory_space<vmem>> -> memref<1x1x32x128xf32, #tpu.memory_space<vmem>>
        %dma_start3A_884 = tpu.memref_squeeze %dma_start3A_883 : memref<1x1x32x128xf32, #tpu.memory_space<vmem>> -> memref<32x128xf32, #tpu.memory_space<vmem>>
        %dma_start3A_885 = arith.constant 0 : i32
        %dma_start3A_886 = tpu.memref_slice %arg2[%dma_start3A_885, %multiple_of3A_879] : memref<32x1000000xf32, #tpu.memory_space<hbm>> -> memref<32x128xf32, #tpu.memory_space<hbm>>
        %dma_start3A_887 = arith.constant 0 : i32
        %dma_start3A_888 = arith.constant 0 : i32
        %dma_start3A_889 = tpu.memref_slice %arg7[%sub3A_808, %dma_start3A_880, %dma_start3A_887, %dma_start3A_888] : memref<2x8x32x128xf32, #tpu.memory_space<vmem>> -> memref<1x1x32x128xf32, #tpu.memory_space<vmem>>
        %dma_start3A_890 = tpu.memref_squeeze %dma_start3A_889 : memref<1x1x32x128xf32, #tpu.memory_space<vmem>> -> memref<32x128xf32, #tpu.memory_space<vmem>>
        %dma_start3A_891 = arith.constant 0 : i32
        %dma_start3A_892 = tpu.memref_slice %arg2[%dma_start3A_891, %multiple_of3A_879] : memref<32x1000000xf32, #tpu.memory_space<hbm>> -> memref<32x128xf32, #tpu.memory_space<hbm>>
        tpu.enqueue_dma source(%dma_start3A_892 : memref<32x128xf32, #tpu.memory_space<hbm>>) target(%dma_start3A_890 : memref<32x128xf32, #tpu.memory_space<vmem>>) target_semaphore(%arg11 : memref<!tpu.dma_semaphore, #tpu.memory_space<semaphore_mem>>)
        %mul3A_893 = arith.constant 8 : i32
        %mul3A_894 = arith.muli %add3A_806, %mul3A_893 : i32
        %add3A_895 = arith.constant 3 : i32
        %add3A_896 = arith.addi %mul3A_894, %add3A_895 : i32
        %get3A_897 = arith.index_cast %add3A_896 : i32 to index
        %get3A_898 = tpu.vector_load %arg6[%get3A_897] {strides = array<i32>} : memref<528xi32, #tpu.memory_space<vmem>>, vector<16xi32>,
        %slice3A_899 = vector.extract_strided_slice %get3A_898 {offsets = [0], sizes = [1], strides = [1]} : vector<16xi32> to vector<1xi32>
        %squeeze3A_900 = vector.extract %slice3A_899[0] : i32 from vector<1xi32>
        %shift_right_arithmetic3A_901 = arith.constant 7 : i32
        %shift_right_arithmetic3A_902 = arith.shrsi %squeeze3A_900, %shift_right_arithmetic3A_901 : i32
        %mul3A_903 = arith.constant 128 : i32
        %mul3A_904 = arith.muli %shift_right_arithmetic3A_902, %mul3A_903 : i32
        %min3A_905 = arith.constant 999808 : i32
        %min3A_906 = arith.minsi %mul3A_904, %min3A_905 : i32
        %multiple_of3A_907 = tpu.assume_multiple %min3A_906, 128 : i32
        %dma_start3A_908 = arith.constant 3 : i32
        %dma_start3A_909 = arith.constant 0 : i32
        %dma_start3A_910 = arith.constant 0 : i32
        %dma_start3A_911 = tpu.memref_slice %arg7[%sub3A_808, %dma_start3A_908, %dma_start3A_909, %dma_start3A_910] : memref<2x8x32x128xf32, #tpu.memory_space<vmem>> -> memref<1x1x32x128xf32, #tpu.memory_space<vmem>>
        %dma_start3A_912 = tpu.memref_squeeze %dma_start3A_911 : memref<1x1x32x128xf32, #tpu.memory_space<vmem>> -> memref<32x128xf32, #tpu.memory_space<vmem>>
        %dma_start3A_913 = arith.constant 0 : i32
        %dma_start3A_914 = tpu.memref_slice %arg2[%dma_start3A_913, %multiple_of3A_907] : memref<32x1000000xf32, #tpu.memory_space<hbm>> -> memref<32x128xf32, #tpu.memory_space<hbm>>
        %dma_start3A_915 = arith.constant 0 : i32
        %dma_start3A_916 = arith.constant 0 : i32
        %dma_start3A_917 = tpu.memref_slice %arg7[%sub3A_808, %dma_start3A_908, %dma_start3A_915, %dma_start3A_916] : memref<2x8x32x128xf32, #tpu.memory_space<vmem>> -> memref<1x1x32x128xf32, #tpu.memory_space<vmem>>
        %dma_start3A_918 = tpu.memref_squeeze %dma_start3A_917 : memref<1x1x32x128xf32, #tpu.memory_space<vmem>> -> memref<32x128xf32, #tpu.memory_space<vmem>>
        %dma_start3A_919 = arith.constant 0 : i32
        %dma_start3A_920 = tpu.memref_slice %arg2[%dma_start3A_919, %multiple_of3A_907] : memref<32x1000000xf32, #tpu.memory_space<hbm>> -> memref<32x128xf32, #tpu.memory_space<hbm>>
        tpu.enqueue_dma source(%dma_start3A_920 : memref<32x128xf32, #tpu.memory_space<hbm>>) target(%dma_start3A_918 : memref<32x128xf32, #tpu.memory_space<vmem>>) target_semaphore(%arg11 : memref<!tpu.dma_semaphore, #tpu.memory_space<semaphore_mem>>)
        %mul3A_921 = arith.constant 8 : i32
        %mul3A_922 = arith.muli %add3A_806, %mul3A_921 : i32
        %add3A_923 = arith.constant 4 : i32
        %add3A_924 = arith.addi %mul3A_922, %add3A_923 : i32
        %get3A_925 = arith.index_cast %add3A_924 : i32 to index
        %get3A_926 = tpu.vector_load %arg6[%get3A_925] {strides = array<i32>} : memref<528xi32, #tpu.memory_space<vmem>>, vector<16xi32>,
        %slice3A_927 = vector.extract_strided_slice %get3A_926 {offsets = [0], sizes = [1], strides = [1]} : vector<16xi32> to vector<1xi32>
        %squeeze3A_928 = vector.extract %slice3A_927[0] : i32 from vector<1xi32>
        %shift_right_arithmetic3A_929 = arith.constant 7 : i32
        %shift_right_arithmetic3A_930 = arith.shrsi %squeeze3A_928, %shift_right_arithmetic3A_929 : i32
        %mul3A_931 = arith.constant 128 : i32
        %mul3A_932 = arith.muli %shift_right_arithmetic3A_930, %mul3A_931 : i32
        %min3A_933 = arith.constant 999808 : i32
        %min3A_934 = arith.minsi %mul3A_932, %min3A_933 : i32
        %multiple_of3A_935 = tpu.assume_multiple %min3A_934, 128 : i32
        %dma_start3A_936 = arith.constant 4 : i32
        %dma_start3A_937 = arith.constant 0 : i32
        %dma_start3A_938 = arith.constant 0 : i32
        %dma_start3A_939 = tpu.memref_slice %arg7[%sub3A_808, %dma_start3A_936, %dma_start3A_937, %dma_start3A_938] : memref<2x8x32x128xf32, #tpu.memory_space<vmem>> -> memref<1x1x32x128xf32, #tpu.memory_space<vmem>>
        %dma_start3A_940 = tpu.memref_squeeze %dma_start3A_939 : memref<1x1x32x128xf32, #tpu.memory_space<vmem>> -> memref<32x128xf32, #tpu.memory_space<vmem>>
        %dma_start3A_941 = arith.constant 0 : i32
        %dma_start3A_942 = tpu.memref_slice %arg2[%dma_start3A_941, %multiple_of3A_935] : memref<32x1000000xf32, #tpu.memory_space<hbm>> -> memref<32x128xf32, #tpu.memory_space<hbm>>
        %dma_start3A_943 = arith.constant 0 : i32
        %dma_start3A_944 = arith.constant 0 : i32
        %dma_start3A_945 = tpu.memref_slice %arg7[%sub3A_808, %dma_start3A_936, %dma_start3A_943, %dma_start3A_944] : memref<2x8x32x128xf32, #tpu.memory_space<vmem>> -> memref<1x1x32x128xf32, #tpu.memory_space<vmem>>
        %dma_start3A_946 = tpu.memref_squeeze %dma_start3A_945 : memref<1x1x32x128xf32, #tpu.memory_space<vmem>> -> memref<32x128xf32, #tpu.memory_space<vmem>>
        %dma_start3A_947 = arith.constant 0 : i32
        %dma_start3A_948 = tpu.memref_slice %arg2[%dma_start3A_947, %multiple_of3A_935] : memref<32x1000000xf32, #tpu.memory_space<hbm>> -> memref<32x128xf32, #tpu.memory_space<hbm>>
        tpu.enqueue_dma source(%dma_start3A_948 : memref<32x128xf32, #tpu.memory_space<hbm>>) target(%dma_start3A_946 : memref<32x128xf32, #tpu.memory_space<vmem>>) target_semaphore(%arg11 : memref<!tpu.dma_semaphore, #tpu.memory_space<semaphore_mem>>)
        %mul3A_949 = arith.constant 8 : i32
        %mul3A_950 = arith.muli %add3A_806, %mul3A_949 : i32
        %add3A_951 = arith.constant 5 : i32
        %add3A_952 = arith.addi %mul3A_950, %add3A_951 : i32
        %get3A_953 = arith.index_cast %add3A_952 : i32 to index
        %get3A_954 = tpu.vector_load %arg6[%get3A_953] {strides = array<i32>} : memref<528xi32, #tpu.memory_space<vmem>>, vector<16xi32>,
        %slice3A_955 = vector.extract_strided_slice %get3A_954 {offsets = [0], sizes = [1], strides = [1]} : vector<16xi32> to vector<1xi32>
        %squeeze3A_956 = vector.extract %slice3A_955[0] : i32 from vector<1xi32>
        %shift_right_arithmetic3A_957 = arith.constant 7 : i32
        %shift_right_arithmetic3A_958 = arith.shrsi %squeeze3A_956, %shift_right_arithmetic3A_957 : i32
        %mul3A_959 = arith.constant 128 : i32
        %mul3A_960 = arith.muli %shift_right_arithmetic3A_958, %mul3A_959 : i32
        %min3A_961 = arith.constant 999808 : i32
        %min3A_962 = arith.minsi %mul3A_960, %min3A_961 : i32
        %multiple_of3A_963 = tpu.assume_multiple %min3A_962, 128 : i32
        %dma_start3A_964 = arith.constant 5 : i32
        %dma_start3A_965 = arith.constant 0 : i32
        %dma_start3A_966 = arith.constant 0 : i32
        %dma_start3A_967 = tpu.memref_slice %arg7[%sub3A_808, %dma_start3A_964, %dma_start3A_965, %dma_start3A_966] : memref<2x8x32x128xf32, #tpu.memory_space<vmem>> -> memref<1x1x32x128xf32, #tpu.memory_space<vmem>>
        %dma_start3A_968 = tpu.memref_squeeze %dma_start3A_967 : memref<1x1x32x128xf32, #tpu.memory_space<vmem>> -> memref<32x128xf32, #tpu.memory_space<vmem>>
        %dma_start3A_969 = arith.constant 0 : i32
        %dma_start3A_970 = tpu.memref_slice %arg2[%dma_start3A_969, %multiple_of3A_963] : memref<32x1000000xf32, #tpu.memory_space<hbm>> -> memref<32x128xf32, #tpu.memory_space<hbm>>
        %dma_start3A_971 = arith.constant 0 : i32
        %dma_start3A_972 = arith.constant 0 : i32
        %dma_start3A_973 = tpu.memref_slice %arg7[%sub3A_808, %dma_start3A_964, %dma_start3A_971, %dma_start3A_972] : memref<2x8x32x128xf32, #tpu.memory_space<vmem>> -> memref<1x1x32x128xf32, #tpu.memory_space<vmem>>
        %dma_start3A_974 = tpu.memref_squeeze %dma_start3A_973 : memref<1x1x32x128xf32, #tpu.memory_space<vmem>> -> memref<32x128xf32, #tpu.memory_space<vmem>>
        %dma_start3A_975 = arith.constant 0 : i32
        %dma_start3A_976 = tpu.memref_slice %arg2[%dma_start3A_975, %multiple_of3A_963] : memref<32x1000000xf32, #tpu.memory_space<hbm>> -> memref<32x128xf32, #tpu.memory_space<hbm>>
        tpu.enqueue_dma source(%dma_start3A_976 : memref<32x128xf32, #tpu.memory_space<hbm>>) target(%dma_start3A_974 : memref<32x128xf32, #tpu.memory_space<vmem>>) target_semaphore(%arg11 : memref<!tpu.dma_semaphore, #tpu.memory_space<semaphore_mem>>)
        %mul3A_977 = arith.constant 8 : i32
        %mul3A_978 = arith.muli %add3A_806, %mul3A_977 : i32
        %add3A_979 = arith.constant 6 : i32
        %add3A_980 = arith.addi %mul3A_978, %add3A_979 : i32
        %get3A_981 = arith.index_cast %add3A_980 : i32 to index
        %get3A_982 = tpu.vector_load %arg6[%get3A_981] {strides = array<i32>} : memref<528xi32, #tpu.memory_space<vmem>>, vector<16xi32>,
        %slice3A_983 = vector.extract_strided_slice %get3A_982 {offsets = [0], sizes = [1], strides = [1]} : vector<16xi32> to vector<1xi32>
        %squeeze3A_984 = vector.extract %slice3A_983[0] : i32 from vector<1xi32>
        %shift_right_arithmetic3A_985 = arith.constant 7 : i32
        %shift_right_arithmetic3A_986 = arith.shrsi %squeeze3A_984, %shift_right_arithmetic3A_985 : i32
        %mul3A_987 = arith.constant 128 : i32
        %mul3A_988 = arith.muli %shift_right_arithmetic3A_986, %mul3A_987 : i32
        %min3A_989 = arith.constant 999808 : i32
        %min3A_990 = arith.minsi %mul3A_988, %min3A_989 : i32
        %multiple_of3A_991 = tpu.assume_multiple %min3A_990, 128 : i32
        %dma_start3A_992 = arith.constant 6 : i32
        %dma_start3A_993 = arith.constant 0 : i32
        %dma_start3A_994 = arith.constant 0 : i32
        %dma_start3A_995 = tpu.memref_slice %arg7[%sub3A_808, %dma_start3A_992, %dma_start3A_993, %dma_start3A_994] : memref<2x8x32x128xf32, #tpu.memory_space<vmem>> -> memref<1x1x32x128xf32, #tpu.memory_space<vmem>>
        %dma_start3A_996 = tpu.memref_squeeze %dma_start3A_995 : memref<1x1x32x128xf32, #tpu.memory_space<vmem>> -> memref<32x128xf32, #tpu.memory_space<vmem>>
        %dma_start3A_997 = arith.constant 0 : i32
        %dma_start3A_998 = tpu.memref_slice %arg2[%dma_start3A_997, %multiple_of3A_991] : memref<32x1000000xf32, #tpu.memory_space<hbm>> -> memref<32x128xf32, #tpu.memory_space<hbm>>
        %dma_start3A_999 = arith.constant 0 : i32
        %dma_start3A_1000 = arith.constant 0 : i32
        %dma_start3A_1001 = tpu.memref_slice %arg7[%sub3A_808, %dma_start3A_992, %dma_start3A_999, %dma_start3A_1000] : memref<2x8x32x128xf32, #tpu.memory_space<vmem>> -> memref<1x1x32x128xf32, #tpu.memory_space<vmem>>
        %dma_start3A_1002 = tpu.memref_squeeze %dma_start3A_1001 : memref<1x1x32x128xf32, #tpu.memory_space<vmem>> -> memref<32x128xf32, #tpu.memory_space<vmem>>
        %dma_start3A_1003 = arith.constant 0 : i32
        %dma_start3A_1004 = tpu.memref_slice %arg2[%dma_start3A_1003, %multiple_of3A_991] : memref<32x1000000xf32, #tpu.memory_space<hbm>> -> memref<32x128xf32, #tpu.memory_space<hbm>>
        tpu.enqueue_dma source(%dma_start3A_1004 : memref<32x128xf32, #tpu.memory_space<hbm>>) target(%dma_start3A_1002 : memref<32x128xf32, #tpu.memory_space<vmem>>) target_semaphore(%arg11 : memref<!tpu.dma_semaphore, #tpu.memory_space<semaphore_mem>>)
        %mul3A_1005 = arith.constant 8 : i32
        %mul3A_1006 = arith.muli %add3A_806, %mul3A_1005 : i32
        %add3A_1007 = arith.constant 7 : i32
        %add3A_1008 = arith.addi %mul3A_1006, %add3A_1007 : i32
        %get3A_1009 = arith.index_cast %add3A_1008 : i32 to index
        %get3A_1010 = tpu.vector_load %arg6[%get3A_1009] {strides = array<i32>} : memref<528xi32, #tpu.memory_space<vmem>>, vector<16xi32>,
        %slice3A_1011 = vector.extract_strided_slice %get3A_1010 {offsets = [0], sizes = [1], strides = [1]} : vector<16xi32> to vector<1xi32>
        %squeeze3A_1012 = vector.extract %slice3A_1011[0] : i32 from vector<1xi32>
        %shift_right_arithmetic3A_1013 = arith.constant 7 : i32
        %shift_right_arithmetic3A_1014 = arith.shrsi %squeeze3A_1012, %shift_right_arithmetic3A_1013 : i32
        %mul3A_1015 = arith.constant 128 : i32
        %mul3A_1016 = arith.muli %shift_right_arithmetic3A_1014, %mul3A_1015 : i32
        %min3A_1017 = arith.constant 999808 : i32
        %min3A_1018 = arith.minsi %mul3A_1016, %min3A_1017 : i32
        %multiple_of3A_1019 = tpu.assume_multiple %min3A_1018, 128 : i32
        %dma_start3A_1020 = arith.constant 7 : i32
        %dma_start3A_1021 = arith.constant 0 : i32
        %dma_start3A_1022 = arith.constant 0 : i32
        %dma_start3A_1023 = tpu.memref_slice %arg7[%sub3A_808, %dma_start3A_1020, %dma_start3A_1021, %dma_start3A_1022] : memref<2x8x32x128xf32, #tpu.memory_space<vmem>> -> memref<1x1x32x128xf32, #tpu.memory_space<vmem>>
        %dma_start3A_1024 = tpu.memref_squeeze %dma_start3A_1023 : memref<1x1x32x128xf32, #tpu.memory_space<vmem>> -> memref<32x128xf32, #tpu.memory_space<vmem>>
        %dma_start3A_1025 = arith.constant 0 : i32
        %dma_start3A_1026 = tpu.memref_slice %arg2[%dma_start3A_1025, %multiple_of3A_1019] : memref<32x1000000xf32, #tpu.memory_space<hbm>> -> memref<32x128xf32, #tpu.memory_space<hbm>>
        %dma_start3A_1027 = arith.constant 0 : i32
        %dma_start3A_1028 = arith.constant 0 : i32
        %dma_start3A_1029 = tpu.memref_slice %arg7[%sub3A_808, %dma_start3A_1020, %dma_start3A_1027, %dma_start3A_1028] : memref<2x8x32x128xf32, #tpu.memory_space<vmem>> -> memref<1x1x32x128xf32, #tpu.memory_space<vmem>>
        %dma_start3A_1030 = tpu.memref_squeeze %dma_start3A_1029 : memref<1x1x32x128xf32, #tpu.memory_space<vmem>> -> memref<32x128xf32, #tpu.memory_space<vmem>>
        %dma_start3A_1031 = arith.constant 0 : i32
        %dma_start3A_1032 = tpu.memref_slice %arg2[%dma_start3A_1031, %multiple_of3A_1019] : memref<32x1000000xf32, #tpu.memory_space<hbm>> -> memref<32x128xf32, #tpu.memory_space<hbm>>
        tpu.enqueue_dma source(%dma_start3A_1032 : memref<32x128xf32, #tpu.memory_space<hbm>>) target(%dma_start3A_1030 : memref<32x128xf32, #tpu.memory_space<vmem>>) target_semaphore(%arg11 : memref<!tpu.dma_semaphore, #tpu.memory_space<semaphore_mem>>)
      } else {
      }
      %mul3A_212 = arith.constant 8 : i32
      %mul3A_213 = arith.muli %scan3A_208, %mul3A_212 : i32
      %add3A_214 = arith.constant 0 : i32
      %add3A_215 = arith.addi %mul3A_213, %add3A_214 : i32
      %get3A_216 = arith.index_cast %add3A_215 : i32 to index
      %get3A_217 = tpu.vector_load %arg6[%get3A_216] {strides = array<i32>} : memref<528xi32, #tpu.memory_space<vmem>>, vector<16xi32>,
      %slice3A_218 = vector.extract_strided_slice %get3A_217 {offsets = [0], sizes = [1], strides = [1]} : vector<16xi32> to vector<1xi32>
      %squeeze3A_219 = vector.extract %slice3A_218[0] : i32 from vector<1xi32>
      %shift_right_arithmetic3A_220 = arith.constant 7 : i32
      %shift_right_arithmetic3A_221 = arith.shrsi %squeeze3A_219, %shift_right_arithmetic3A_220 : i32
      %mul3A_222 = arith.constant 128 : i32
      %mul3A_223 = arith.muli %shift_right_arithmetic3A_221, %mul3A_222 : i32
      %min3A_224 = arith.constant 999808 : i32
      %min3A_225 = arith.minsi %mul3A_223, %min3A_224 : i32
      %multiple_of3A_226 = tpu.assume_multiple %min3A_225, 128 : i32
      %dma_wait3A = arith.constant 0 : i32
      %dma_wait3A_227 = arith.constant 0 : i32
      %dma_wait3A_228 = arith.constant 0 : i32
      %dma_wait3A_229 = tpu.memref_slice %arg7[%and3A_209, %dma_wait3A, %dma_wait3A_227, %dma_wait3A_228] : memref<2x8x32x128xf32, #tpu.memory_space<vmem>> -> memref<1x1x32x128xf32, #tpu.memory_space<vmem>>
      %dma_wait3A_230 = tpu.memref_squeeze %dma_wait3A_229 : memref<1x1x32x128xf32, #tpu.memory_space<vmem>> -> memref<32x128xf32, #tpu.memory_space<vmem>>
      %dma_wait3A_231 = arith.constant 0 : i32
      %dma_wait3A_232 = tpu.memref_slice %arg2[%dma_wait3A_231, %multiple_of3A_226] : memref<32x1000000xf32, #tpu.memory_space<hbm>> -> memref<32x128xf32, #tpu.memory_space<hbm>>
      %dma_wait3A_233 = arith.constant 0 : i32
      %dma_wait3A_234 = arith.constant 0 : i32
      %dma_wait3A_235 = tpu.memref_slice %arg7[%and3A_209, %dma_wait3A, %dma_wait3A_233, %dma_wait3A_234] : memref<2x8x32x128xf32, #tpu.memory_space<vmem>> -> memref<1x1x32x128xf32, #tpu.memory_space<vmem>>
      %dma_wait3A_236 = tpu.memref_squeeze %dma_wait3A_235 : memref<1x1x32x128xf32, #tpu.memory_space<vmem>> -> memref<32x128xf32, #tpu.memory_space<vmem>>
      %dma_wait3A_237 = arith.constant 0 : i32
      %dma_wait3A_238 = tpu.memref_slice %arg2[%dma_wait3A_237, %multiple_of3A_226] : memref<32x1000000xf32, #tpu.memory_space<hbm>> -> memref<32x128xf32, #tpu.memory_space<hbm>>
      tpu.wait_dma2 semaphore(%arg11 : memref<!tpu.dma_semaphore, #tpu.memory_space<semaphore_mem>>) src(%dma_wait3A_238 : memref<32x128xf32, #tpu.memory_space<hbm>>) dst(%dma_wait3A_236 : memref<32x128xf32, #tpu.memory_space<vmem>>)
      %mul3A_239 = arith.constant 8 : i32
      %mul3A_240 = arith.muli %scan3A_208, %mul3A_239 : i32
      %add3A_241 = arith.constant 0 : i32
      %add3A_242 = arith.addi %mul3A_240, %add3A_241 : i32
      %sub3A = arith.subi %squeeze3A_219, %multiple_of3A_226 : i32
      %min3A_243 = arith.constant 127 : i32
      %min3A_244 = arith.minsi %sub3A, %min3A_243 : i32
      %broadcast_in_dim3A_245 = vector.broadcast %and3A_209 : i32 to vector<16xi32>
      %broadcast_in_dim3A_246 = arith.constant 0 : i32
      %broadcast_in_dim3A_247 = vector.broadcast %broadcast_in_dim3A_246 : i32 to vector<16xi32>
      %broadcast_in_dim3A_248 = vector.broadcast %min3A_244 : i32 to vector<16xi32>
      %gather3A_249 = tpu.vector_load_idx %arg7[%broadcast_in_dim3A_245, %broadcast_in_dim3A_247, %iota3A, %broadcast_in_dim3A_248] : memref<2x8x32x128xf32, #tpu.memory_space<vmem>>[vector<16xi32>, vector<16xi32>, vector<16xi32>, vector<16xi32>], vector<16xf32>,
      %add3A_250 = arith.constant 16 : i32
      %add3A_251 = vector.broadcast %add3A_250 : i32 to vector<16xi32>
      %add3A_252 = arith.addi %iota3A, %add3A_251 : vector<16xi32>
      %gather3A_253 = tpu.vector_load_idx %arg7[%broadcast_in_dim3A_245, %broadcast_in_dim3A_247, %add3A_252, %broadcast_in_dim3A_248] : memref<2x8x32x128xf32, #tpu.memory_space<vmem>>[vector<16xi32>, vector<16xi32>, vector<16xi32>, vector<16xi32>], vector<16xf32>,
      %sub3A_254 = arith.constant 999936 : i32
      %sub3A_255 = arith.subi %squeeze3A_219, %sub3A_254 : i32
      %jit3A = arith.constant 0 : i32
      %jit3A_256 = arith.constant 63 : i32
      %max3A = arith.maxsi %jit3A, %sub3A_255 : i32
      %min3A_257 = arith.minsi %jit3A_256, %max3A : i32
      %broadcast_in_dim3A_258 = vector.broadcast %min3A_257 : i32 to vector<16xi32>
      %gather3A_259 = tpu.vector_load_idx %arg9[%iota3A, %broadcast_in_dim3A_258] : memref<32x64xf32, #tpu.memory_space<vmem>>[vector<16xi32>, vector<16xi32>], vector<16xf32>,
      %add3A_260 = arith.constant 16 : i32
      %add3A_261 = vector.broadcast %add3A_260 : i32 to vector<16xi32>
      %add3A_262 = arith.addi %iota3A, %add3A_261 : vector<16xi32>
      %gather3A_263 = tpu.vector_load_idx %arg9[%add3A_262, %broadcast_in_dim3A_258] : memref<32x64xf32, #tpu.memory_space<vmem>>[vector<16xi32>, vector<16xi32>], vector<16xf32>,
      %ge3A = arith.constant 999936 : i32
      %ge3A_264 = arith.cmpi sge, %squeeze3A_219, %ge3A : i32
      %broadcast_in_dim3A_265 = vector.broadcast %ge3A_264 : i1 to vector<16xi1>
      %select_n3A = arith.select %broadcast_in_dim3A_265, %gather3A_259, %gather3A_249 : vector<16xi1>, vector<16xf32>
      %select_n3A_266 = arith.select %broadcast_in_dim3A_265, %gather3A_263, %gather3A_253 : vector<16xi1>, vector<16xf32>
      %ne3A = arith.constant 0 : i32
      %ne3A_267 = arith.cmpi ne, %squeeze3A_219, %ne3A : i32
      %jit3A_268 = arith.constant 1.000000e+00 : f32
      %jit3A_269 = arith.constant 0.000000e+00 : f32
      %select_n3A_270 = arith.select %ne3A_267, %jit3A_268, %jit3A_269 : f32
      %broadcast_in_dim3A_271 = vector.broadcast %select_n3A_270 : f32 to vector<16xf32>
      %broadcast_in_dim3A_272 = vector.broadcast %add3A_242 : i32 to vector<16xi32>
      %mul3A_273 = arith.mulf %select_n3A, %broadcast_in_dim3A_271 : vector<16xf32>
      %add3A_274 = arith.addf %mul3A_273, %gather3A : vector<16xf32>
      tpu.vector_store_idx %arg10[%iota3A, %broadcast_in_dim3A_272], %add3A_274 : memref<32x512xf32, #tpu.memory_space<vmem>>[vector<16xi32>, vector<16xi32>], vector<16xf32>,
      %add3A_275 = arith.constant 16 : i32
      %add3A_276 = vector.broadcast %add3A_275 : i32 to vector<16xi32>
      %add3A_277 = arith.addi %iota3A, %add3A_276 : vector<16xi32>
      %mul3A_278 = arith.mulf %select_n3A_266, %broadcast_in_dim3A_271 : vector<16xf32>
      %add3A_279 = arith.addf %mul3A_278, %gather3A_9 : vector<16xf32>
      tpu.vector_store_idx %arg10[%add3A_277, %broadcast_in_dim3A_272], %add3A_279 : memref<32x512xf32, #tpu.memory_space<vmem>>[vector<16xi32>, vector<16xi32>], vector<16xf32>,
      %mul3A_280 = arith.constant 8 : i32
      %mul3A_281 = arith.muli %scan3A_208, %mul3A_280 : i32
      %add3A_282 = arith.constant 1 : i32
      %add3A_283 = arith.addi %mul3A_281, %add3A_282 : i32
      %get3A_284 = arith.index_cast %add3A_283 : i32 to index
      %get3A_285 = tpu.vector_load %arg6[%get3A_284] {strides = array<i32>} : memref<528xi32, #tpu.memory_space<vmem>>, vector<16xi32>,
      %slice3A_286 = vector.extract_strided_slice %get3A_285 {offsets = [0], sizes = [1], strides = [1]} : vector<16xi32> to vector<1xi32>
      %squeeze3A_287 = vector.extract %slice3A_286[0] : i32 from vector<1xi32>
      %shift_right_arithmetic3A_288 = arith.constant 7 : i32
      %shift_right_arithmetic3A_289 = arith.shrsi %squeeze3A_287, %shift_right_arithmetic3A_288 : i32
      %mul3A_290 = arith.constant 128 : i32
      %mul3A_291 = arith.muli %shift_right_arithmetic3A_289, %mul3A_290 : i32
      %min3A_292 = arith.constant 999808 : i32
      %min3A_293 = arith.minsi %mul3A_291, %min3A_292 : i32
      %multiple_of3A_294 = tpu.assume_multiple %min3A_293, 128 : i32
      %dma_wait3A_295 = arith.constant 1 : i32
      %dma_wait3A_296 = arith.constant 0 : i32
      %dma_wait3A_297 = arith.constant 0 : i32
      %dma_wait3A_298 = tpu.memref_slice %arg7[%and3A_209, %dma_wait3A_295, %dma_wait3A_296, %dma_wait3A_297] : memref<2x8x32x128xf32, #tpu.memory_space<vmem>> -> memref<1x1x32x128xf32, #tpu.memory_space<vmem>>
      %dma_wait3A_299 = tpu.memref_squeeze %dma_wait3A_298 : memref<1x1x32x128xf32, #tpu.memory_space<vmem>> -> memref<32x128xf32, #tpu.memory_space<vmem>>
      %dma_wait3A_300 = arith.constant 0 : i32
      %dma_wait3A_301 = tpu.memref_slice %arg2[%dma_wait3A_300, %multiple_of3A_294] : memref<32x1000000xf32, #tpu.memory_space<hbm>> -> memref<32x128xf32, #tpu.memory_space<hbm>>
      %dma_wait3A_302 = arith.constant 0 : i32
      %dma_wait3A_303 = arith.constant 0 : i32
      %dma_wait3A_304 = tpu.memref_slice %arg7[%and3A_209, %dma_wait3A_295, %dma_wait3A_302, %dma_wait3A_303] : memref<2x8x32x128xf32, #tpu.memory_space<vmem>> -> memref<1x1x32x128xf32, #tpu.memory_space<vmem>>
      %dma_wait3A_305 = tpu.memref_squeeze %dma_wait3A_304 : memref<1x1x32x128xf32, #tpu.memory_space<vmem>> -> memref<32x128xf32, #tpu.memory_space<vmem>>
      %dma_wait3A_306 = arith.constant 0 : i32
      %dma_wait3A_307 = tpu.memref_slice %arg2[%dma_wait3A_306, %multiple_of3A_294] : memref<32x1000000xf32, #tpu.memory_space<hbm>> -> memref<32x128xf32, #tpu.memory_space<hbm>>
      tpu.wait_dma2 semaphore(%arg11 : memref<!tpu.dma_semaphore, #tpu.memory_space<semaphore_mem>>) src(%dma_wait3A_307 : memref<32x128xf32, #tpu.memory_space<hbm>>) dst(%dma_wait3A_305 : memref<32x128xf32, #tpu.memory_space<vmem>>)
      %mul3A_308 = arith.constant 8 : i32
      %mul3A_309 = arith.muli %scan3A_208, %mul3A_308 : i32
      %add3A_310 = arith.constant 1 : i32
      %add3A_311 = arith.addi %mul3A_309, %add3A_310 : i32
      %sub3A_312 = arith.subi %squeeze3A_287, %multiple_of3A_294 : i32
      %min3A_313 = arith.constant 127 : i32
      %min3A_314 = arith.minsi %sub3A_312, %min3A_313 : i32
      %broadcast_in_dim3A_315 = vector.broadcast %and3A_209 : i32 to vector<16xi32>
      %broadcast_in_dim3A_316 = arith.constant 1 : i32
      %broadcast_in_dim3A_317 = vector.broadcast %broadcast_in_dim3A_316 : i32 to vector<16xi32>
      %broadcast_in_dim3A_318 = vector.broadcast %min3A_314 : i32 to vector<16xi32>
      %gather3A_319 = tpu.vector_load_idx %arg7[%broadcast_in_dim3A_315, %broadcast_in_dim3A_317, %iota3A, %broadcast_in_dim3A_318] : memref<2x8x32x128xf32, #tpu.memory_space<vmem>>[vector<16xi32>, vector<16xi32>, vector<16xi32>, vector<16xi32>], vector<16xf32>,
      %add3A_320 = arith.constant 16 : i32
      %add3A_321 = vector.broadcast %add3A_320 : i32 to vector<16xi32>
      %add3A_322 = arith.addi %iota3A, %add3A_321 : vector<16xi32>
      %gather3A_323 = tpu.vector_load_idx %arg7[%broadcast_in_dim3A_315, %broadcast_in_dim3A_317, %add3A_322, %broadcast_in_dim3A_318] : memref<2x8x32x128xf32, #tpu.memory_space<vmem>>[vector<16xi32>, vector<16xi32>, vector<16xi32>, vector<16xi32>], vector<16xf32>,
      %sub3A_324 = arith.constant 999936 : i32
      %sub3A_325 = arith.subi %squeeze3A_287, %sub3A_324 : i32
      %jit3A_326 = arith.constant 0 : i32
      %jit3A_327 = arith.constant 63 : i32
      %max3A_328 = arith.maxsi %jit3A_326, %sub3A_325 : i32
      %min3A_329 = arith.minsi %jit3A_327, %max3A_328 : i32
      %broadcast_in_dim3A_330 = vector.broadcast %min3A_329 : i32 to vector<16xi32>
      %gather3A_331 = tpu.vector_load_idx %arg9[%iota3A, %broadcast_in_dim3A_330] : memref<32x64xf32, #tpu.memory_space<vmem>>[vector<16xi32>, vector<16xi32>], vector<16xf32>,
      %add3A_332 = arith.constant 16 : i32
      %add3A_333 = vector.broadcast %add3A_332 : i32 to vector<16xi32>
      %add3A_334 = arith.addi %iota3A, %add3A_333 : vector<16xi32>
      %gather3A_335 = tpu.vector_load_idx %arg9[%add3A_334, %broadcast_in_dim3A_330] : memref<32x64xf32, #tpu.memory_space<vmem>>[vector<16xi32>, vector<16xi32>], vector<16xf32>,
      %ge3A_336 = arith.constant 999936 : i32
      %ge3A_337 = arith.cmpi sge, %squeeze3A_287, %ge3A_336 : i32
      %broadcast_in_dim3A_338 = vector.broadcast %ge3A_337 : i1 to vector<16xi1>
      %select_n3A_339 = arith.select %broadcast_in_dim3A_338, %gather3A_331, %gather3A_319 : vector<16xi1>, vector<16xf32>
      %select_n3A_340 = arith.select %broadcast_in_dim3A_338, %gather3A_335, %gather3A_323 : vector<16xi1>, vector<16xf32>
      %ne3A_341 = arith.constant 0 : i32
      %ne3A_342 = arith.cmpi ne, %squeeze3A_287, %ne3A_341 : i32
      %jit3A_343 = arith.constant 1.000000e+00 : f32
      %jit3A_344 = arith.constant 0.000000e+00 : f32
      %select_n3A_345 = arith.select %ne3A_342, %jit3A_343, %jit3A_344 : f32
      %broadcast_in_dim3A_346 = vector.broadcast %select_n3A_345 : f32 to vector<16xf32>
      %broadcast_in_dim3A_347 = vector.broadcast %add3A_311 : i32 to vector<16xi32>
      %mul3A_348 = arith.mulf %select_n3A_339, %broadcast_in_dim3A_346 : vector<16xf32>
      %add3A_349 = arith.addf %mul3A_348, %gather3A : vector<16xf32>
      tpu.vector_store_idx %arg10[%iota3A, %broadcast_in_dim3A_347], %add3A_349 : memref<32x512xf32, #tpu.memory_space<vmem>>[vector<16xi32>, vector<16xi32>], vector<16xf32>,
      %add3A_350 = arith.constant 16 : i32
      %add3A_351 = vector.broadcast %add3A_350 : i32 to vector<16xi32>
      %add3A_352 = arith.addi %iota3A, %add3A_351 : vector<16xi32>
      %mul3A_353 = arith.mulf %select_n3A_340, %broadcast_in_dim3A_346 : vector<16xf32>
      %add3A_354 = arith.addf %mul3A_353, %gather3A_9 : vector<16xf32>
      tpu.vector_store_idx %arg10[%add3A_352, %broadcast_in_dim3A_347], %add3A_354 : memref<32x512xf32, #tpu.memory_space<vmem>>[vector<16xi32>, vector<16xi32>], vector<16xf32>,
      %mul3A_355 = arith.constant 8 : i32
      %mul3A_356 = arith.muli %scan3A_208, %mul3A_355 : i32
      %add3A_357 = arith.constant 2 : i32
      %add3A_358 = arith.addi %mul3A_356, %add3A_357 : i32
      %get3A_359 = arith.index_cast %add3A_358 : i32 to index
      %get3A_360 = tpu.vector_load %arg6[%get3A_359] {strides = array<i32>} : memref<528xi32, #tpu.memory_space<vmem>>, vector<16xi32>,
      %slice3A_361 = vector.extract_strided_slice %get3A_360 {offsets = [0], sizes = [1], strides = [1]} : vector<16xi32> to vector<1xi32>
      %squeeze3A_362 = vector.extract %slice3A_361[0] : i32 from vector<1xi32>
      %shift_right_arithmetic3A_363 = arith.constant 7 : i32
      %shift_right_arithmetic3A_364 = arith.shrsi %squeeze3A_362, %shift_right_arithmetic3A_363 : i32
      %mul3A_365 = arith.constant 128 : i32
      %mul3A_366 = arith.muli %shift_right_arithmetic3A_364, %mul3A_365 : i32
      %min3A_367 = arith.constant 999808 : i32
      %min3A_368 = arith.minsi %mul3A_366, %min3A_367 : i32
      %multiple_of3A_369 = tpu.assume_multiple %min3A_368, 128 : i32
      %dma_wait3A_370 = arith.constant 2 : i32
      %dma_wait3A_371 = arith.constant 0 : i32
      %dma_wait3A_372 = arith.constant 0 : i32
      %dma_wait3A_373 = tpu.memref_slice %arg7[%and3A_209, %dma_wait3A_370, %dma_wait3A_371, %dma_wait3A_372] : memref<2x8x32x128xf32, #tpu.memory_space<vmem>> -> memref<1x1x32x128xf32, #tpu.memory_space<vmem>>
      %dma_wait3A_374 = tpu.memref_squeeze %dma_wait3A_373 : memref<1x1x32x128xf32, #tpu.memory_space<vmem>> -> memref<32x128xf32, #tpu.memory_space<vmem>>
      %dma_wait3A_375 = arith.constant 0 : i32
      %dma_wait3A_376 = tpu.memref_slice %arg2[%dma_wait3A_375, %multiple_of3A_369] : memref<32x1000000xf32, #tpu.memory_space<hbm>> -> memref<32x128xf32, #tpu.memory_space<hbm>>
      %dma_wait3A_377 = arith.constant 0 : i32
      %dma_wait3A_378 = arith.constant 0 : i32
      %dma_wait3A_379 = tpu.memref_slice %arg7[%and3A_209, %dma_wait3A_370, %dma_wait3A_377, %dma_wait3A_378] : memref<2x8x32x128xf32, #tpu.memory_space<vmem>> -> memref<1x1x32x128xf32, #tpu.memory_space<vmem>>
      %dma_wait3A_380 = tpu.memref_squeeze %dma_wait3A_379 : memref<1x1x32x128xf32, #tpu.memory_space<vmem>> -> memref<32x128xf32, #tpu.memory_space<vmem>>
      %dma_wait3A_381 = arith.constant 0 : i32
      %dma_wait3A_382 = tpu.memref_slice %arg2[%dma_wait3A_381, %multiple_of3A_369] : memref<32x1000000xf32, #tpu.memory_space<hbm>> -> memref<32x128xf32, #tpu.memory_space<hbm>>
      tpu.wait_dma2 semaphore(%arg11 : memref<!tpu.dma_semaphore, #tpu.memory_space<semaphore_mem>>) src(%dma_wait3A_382 : memref<32x128xf32, #tpu.memory_space<hbm>>) dst(%dma_wait3A_380 : memref<32x128xf32, #tpu.memory_space<vmem>>)
      %mul3A_383 = arith.constant 8 : i32
      %mul3A_384 = arith.muli %scan3A_208, %mul3A_383 : i32
      %add3A_385 = arith.constant 2 : i32
      %add3A_386 = arith.addi %mul3A_384, %add3A_385 : i32
      %sub3A_387 = arith.subi %squeeze3A_362, %multiple_of3A_369 : i32
      %min3A_388 = arith.constant 127 : i32
      %min3A_389 = arith.minsi %sub3A_387, %min3A_388 : i32
      %broadcast_in_dim3A_390 = vector.broadcast %and3A_209 : i32 to vector<16xi32>
      %broadcast_in_dim3A_391 = arith.constant 2 : i32
      %broadcast_in_dim3A_392 = vector.broadcast %broadcast_in_dim3A_391 : i32 to vector<16xi32>
      %broadcast_in_dim3A_393 = vector.broadcast %min3A_389 : i32 to vector<16xi32>
      %gather3A_394 = tpu.vector_load_idx %arg7[%broadcast_in_dim3A_390, %broadcast_in_dim3A_392, %iota3A, %broadcast_in_dim3A_393] : memref<2x8x32x128xf32, #tpu.memory_space<vmem>>[vector<16xi32>, vector<16xi32>, vector<16xi32>, vector<16xi32>], vector<16xf32>,
      %add3A_395 = arith.constant 16 : i32
      %add3A_396 = vector.broadcast %add3A_395 : i32 to vector<16xi32>
      %add3A_397 = arith.addi %iota3A, %add3A_396 : vector<16xi32>
      %gather3A_398 = tpu.vector_load_idx %arg7[%broadcast_in_dim3A_390, %broadcast_in_dim3A_392, %add3A_397, %broadcast_in_dim3A_393] : memref<2x8x32x128xf32, #tpu.memory_space<vmem>>[vector<16xi32>, vector<16xi32>, vector<16xi32>, vector<16xi32>], vector<16xf32>,
      %sub3A_399 = arith.constant 999936 : i32
      %sub3A_400 = arith.subi %squeeze3A_362, %sub3A_399 : i32
      %jit3A_401 = arith.constant 0 : i32
      %jit3A_402 = arith.constant 63 : i32
      %max3A_403 = arith.maxsi %jit3A_401, %sub3A_400 : i32
      %min3A_404 = arith.minsi %jit3A_402, %max3A_403 : i32
      %broadcast_in_dim3A_405 = vector.broadcast %min3A_404 : i32 to vector<16xi32>
      %gather3A_406 = tpu.vector_load_idx %arg9[%iota3A, %broadcast_in_dim3A_405] : memref<32x64xf32, #tpu.memory_space<vmem>>[vector<16xi32>, vector<16xi32>], vector<16xf32>,
      %add3A_407 = arith.constant 16 : i32
      %add3A_408 = vector.broadcast %add3A_407 : i32 to vector<16xi32>
      %add3A_409 = arith.addi %iota3A, %add3A_408 : vector<16xi32>
      %gather3A_410 = tpu.vector_load_idx %arg9[%add3A_409, %broadcast_in_dim3A_405] : memref<32x64xf32, #tpu.memory_space<vmem>>[vector<16xi32>, vector<16xi32>], vector<16xf32>,
      %ge3A_411 = arith.constant 999936 : i32
      %ge3A_412 = arith.cmpi sge, %squeeze3A_362, %ge3A_411 : i32
      %broadcast_in_dim3A_413 = vector.broadcast %ge3A_412 : i1 to vector<16xi1>
      %select_n3A_414 = arith.select %broadcast_in_dim3A_413, %gather3A_406, %gather3A_394 : vector<16xi1>, vector<16xf32>
      %select_n3A_415 = arith.select %broadcast_in_dim3A_413, %gather3A_410, %gather3A_398 : vector<16xi1>, vector<16xf32>
      %ne3A_416 = arith.constant 0 : i32
      %ne3A_417 = arith.cmpi ne, %squeeze3A_362, %ne3A_416 : i32
      %jit3A_418 = arith.constant 1.000000e+00 : f32
      %jit3A_419 = arith.constant 0.000000e+00 : f32
      %select_n3A_420 = arith.select %ne3A_417, %jit3A_418, %jit3A_419 : f32
      %broadcast_in_dim3A_421 = vector.broadcast %select_n3A_420 : f32 to vector<16xf32>
      %broadcast_in_dim3A_422 = vector.broadcast %add3A_386 : i32 to vector<16xi32>
      %mul3A_423 = arith.mulf %select_n3A_414, %broadcast_in_dim3A_421 : vector<16xf32>
      %add3A_424 = arith.addf %mul3A_423, %gather3A : vector<16xf32>
      tpu.vector_store_idx %arg10[%iota3A, %broadcast_in_dim3A_422], %add3A_424 : memref<32x512xf32, #tpu.memory_space<vmem>>[vector<16xi32>, vector<16xi32>], vector<16xf32>,
      %add3A_425 = arith.constant 16 : i32
      %add3A_426 = vector.broadcast %add3A_425 : i32 to vector<16xi32>
      %add3A_427 = arith.addi %iota3A, %add3A_426 : vector<16xi32>
      %mul3A_428 = arith.mulf %select_n3A_415, %broadcast_in_dim3A_421 : vector<16xf32>
      %add3A_429 = arith.addf %mul3A_428, %gather3A_9 : vector<16xf32>
      tpu.vector_store_idx %arg10[%add3A_427, %broadcast_in_dim3A_422], %add3A_429 : memref<32x512xf32, #tpu.memory_space<vmem>>[vector<16xi32>, vector<16xi32>], vector<16xf32>,
      %mul3A_430 = arith.constant 8 : i32
      %mul3A_431 = arith.muli %scan3A_208, %mul3A_430 : i32
      %add3A_432 = arith.constant 3 : i32
      %add3A_433 = arith.addi %mul3A_431, %add3A_432 : i32
      %get3A_434 = arith.index_cast %add3A_433 : i32 to index
      %get3A_435 = tpu.vector_load %arg6[%get3A_434] {strides = array<i32>} : memref<528xi32, #tpu.memory_space<vmem>>, vector<16xi32>,
      %slice3A_436 = vector.extract_strided_slice %get3A_435 {offsets = [0], sizes = [1], strides = [1]} : vector<16xi32> to vector<1xi32>
      %squeeze3A_437 = vector.extract %slice3A_436[0] : i32 from vector<1xi32>
      %shift_right_arithmetic3A_438 = arith.constant 7 : i32
      %shift_right_arithmetic3A_439 = arith.shrsi %squeeze3A_437, %shift_right_arithmetic3A_438 : i32
      %mul3A_440 = arith.constant 128 : i32
      %mul3A_441 = arith.muli %shift_right_arithmetic3A_439, %mul3A_440 : i32
      %min3A_442 = arith.constant 999808 : i32
      %min3A_443 = arith.minsi %mul3A_441, %min3A_442 : i32
      %multiple_of3A_444 = tpu.assume_multiple %min3A_443, 128 : i32
      %dma_wait3A_445 = arith.constant 3 : i32
      %dma_wait3A_446 = arith.constant 0 : i32
      %dma_wait3A_447 = arith.constant 0 : i32
      %dma_wait3A_448 = tpu.memref_slice %arg7[%and3A_209, %dma_wait3A_445, %dma_wait3A_446, %dma_wait3A_447] : memref<2x8x32x128xf32, #tpu.memory_space<vmem>> -> memref<1x1x32x128xf32, #tpu.memory_space<vmem>>
      %dma_wait3A_449 = tpu.memref_squeeze %dma_wait3A_448 : memref<1x1x32x128xf32, #tpu.memory_space<vmem>> -> memref<32x128xf32, #tpu.memory_space<vmem>>
      %dma_wait3A_450 = arith.constant 0 : i32
      %dma_wait3A_451 = tpu.memref_slice %arg2[%dma_wait3A_450, %multiple_of3A_444] : memref<32x1000000xf32, #tpu.memory_space<hbm>> -> memref<32x128xf32, #tpu.memory_space<hbm>>
      %dma_wait3A_452 = arith.constant 0 : i32
      %dma_wait3A_453 = arith.constant 0 : i32
      %dma_wait3A_454 = tpu.memref_slice %arg7[%and3A_209, %dma_wait3A_445, %dma_wait3A_452, %dma_wait3A_453] : memref<2x8x32x128xf32, #tpu.memory_space<vmem>> -> memref<1x1x32x128xf32, #tpu.memory_space<vmem>>
      %dma_wait3A_455 = tpu.memref_squeeze %dma_wait3A_454 : memref<1x1x32x128xf32, #tpu.memory_space<vmem>> -> memref<32x128xf32, #tpu.memory_space<vmem>>
      %dma_wait3A_456 = arith.constant 0 : i32
      %dma_wait3A_457 = tpu.memref_slice %arg2[%dma_wait3A_456, %multiple_of3A_444] : memref<32x1000000xf32, #tpu.memory_space<hbm>> -> memref<32x128xf32, #tpu.memory_space<hbm>>
      tpu.wait_dma2 semaphore(%arg11 : memref<!tpu.dma_semaphore, #tpu.memory_space<semaphore_mem>>) src(%dma_wait3A_457 : memref<32x128xf32, #tpu.memory_space<hbm>>) dst(%dma_wait3A_455 : memref<32x128xf32, #tpu.memory_space<vmem>>)
      %mul3A_458 = arith.constant 8 : i32
      %mul3A_459 = arith.muli %scan3A_208, %mul3A_458 : i32
      %add3A_460 = arith.constant 3 : i32
      %add3A_461 = arith.addi %mul3A_459, %add3A_460 : i32
      %sub3A_462 = arith.subi %squeeze3A_437, %multiple_of3A_444 : i32
      %min3A_463 = arith.constant 127 : i32
      %min3A_464 = arith.minsi %sub3A_462, %min3A_463 : i32
      %broadcast_in_dim3A_465 = vector.broadcast %and3A_209 : i32 to vector<16xi32>
      %broadcast_in_dim3A_466 = arith.constant 3 : i32
      %broadcast_in_dim3A_467 = vector.broadcast %broadcast_in_dim3A_466 : i32 to vector<16xi32>
      %broadcast_in_dim3A_468 = vector.broadcast %min3A_464 : i32 to vector<16xi32>
      %gather3A_469 = tpu.vector_load_idx %arg7[%broadcast_in_dim3A_465, %broadcast_in_dim3A_467, %iota3A, %broadcast_in_dim3A_468] : memref<2x8x32x128xf32, #tpu.memory_space<vmem>>[vector<16xi32>, vector<16xi32>, vector<16xi32>, vector<16xi32>], vector<16xf32>,
      %add3A_470 = arith.constant 16 : i32
      %add3A_471 = vector.broadcast %add3A_470 : i32 to vector<16xi32>
      %add3A_472 = arith.addi %iota3A, %add3A_471 : vector<16xi32>
      %gather3A_473 = tpu.vector_load_idx %arg7[%broadcast_in_dim3A_465, %broadcast_in_dim3A_467, %add3A_472, %broadcast_in_dim3A_468] : memref<2x8x32x128xf32, #tpu.memory_space<vmem>>[vector<16xi32>, vector<16xi32>, vector<16xi32>, vector<16xi32>], vector<16xf32>,
      %sub3A_474 = arith.constant 999936 : i32
      %sub3A_475 = arith.subi %squeeze3A_437, %sub3A_474 : i32
      %jit3A_476 = arith.constant 0 : i32
      %jit3A_477 = arith.constant 63 : i32
      %max3A_478 = arith.maxsi %jit3A_476, %sub3A_475 : i32
      %min3A_479 = arith.minsi %jit3A_477, %max3A_478 : i32
      %broadcast_in_dim3A_480 = vector.broadcast %min3A_479 : i32 to vector<16xi32>
      %gather3A_481 = tpu.vector_load_idx %arg9[%iota3A, %broadcast_in_dim3A_480] : memref<32x64xf32, #tpu.memory_space<vmem>>[vector<16xi32>, vector<16xi32>], vector<16xf32>,
      %add3A_482 = arith.constant 16 : i32
      %add3A_483 = vector.broadcast %add3A_482 : i32 to vector<16xi32>
      %add3A_484 = arith.addi %iota3A, %add3A_483 : vector<16xi32>
      %gather3A_485 = tpu.vector_load_idx %arg9[%add3A_484, %broadcast_in_dim3A_480] : memref<32x64xf32, #tpu.memory_space<vmem>>[vector<16xi32>, vector<16xi32>], vector<16xf32>,
      %ge3A_486 = arith.constant 999936 : i32
      %ge3A_487 = arith.cmpi sge, %squeeze3A_437, %ge3A_486 : i32
      %broadcast_in_dim3A_488 = vector.broadcast %ge3A_487 : i1 to vector<16xi1>
      %select_n3A_489 = arith.select %broadcast_in_dim3A_488, %gather3A_481, %gather3A_469 : vector<16xi1>, vector<16xf32>
      %select_n3A_490 = arith.select %broadcast_in_dim3A_488, %gather3A_485, %gather3A_473 : vector<16xi1>, vector<16xf32>
      %ne3A_491 = arith.constant 0 : i32
      %ne3A_492 = arith.cmpi ne, %squeeze3A_437, %ne3A_491 : i32
      %jit3A_493 = arith.constant 1.000000e+00 : f32
      %jit3A_494 = arith.constant 0.000000e+00 : f32
      %select_n3A_495 = arith.select %ne3A_492, %jit3A_493, %jit3A_494 : f32
      %broadcast_in_dim3A_496 = vector.broadcast %select_n3A_495 : f32 to vector<16xf32>
      %broadcast_in_dim3A_497 = vector.broadcast %add3A_461 : i32 to vector<16xi32>
      %mul3A_498 = arith.mulf %select_n3A_489, %broadcast_in_dim3A_496 : vector<16xf32>
      %add3A_499 = arith.addf %mul3A_498, %gather3A : vector<16xf32>
      tpu.vector_store_idx %arg10[%iota3A, %broadcast_in_dim3A_497], %add3A_499 : memref<32x512xf32, #tpu.memory_space<vmem>>[vector<16xi32>, vector<16xi32>], vector<16xf32>,
      %add3A_500 = arith.constant 16 : i32
      %add3A_501 = vector.broadcast %add3A_500 : i32 to vector<16xi32>
      %add3A_502 = arith.addi %iota3A, %add3A_501 : vector<16xi32>
      %mul3A_503 = arith.mulf %select_n3A_490, %broadcast_in_dim3A_496 : vector<16xf32>
      %add3A_504 = arith.addf %mul3A_503, %gather3A_9 : vector<16xf32>
      tpu.vector_store_idx %arg10[%add3A_502, %broadcast_in_dim3A_497], %add3A_504 : memref<32x512xf32, #tpu.memory_space<vmem>>[vector<16xi32>, vector<16xi32>], vector<16xf32>,
      %mul3A_505 = arith.constant 8 : i32
      %mul3A_506 = arith.muli %scan3A_208, %mul3A_505 : i32
      %add3A_507 = arith.constant 4 : i32
      %add3A_508 = arith.addi %mul3A_506, %add3A_507 : i32
      %get3A_509 = arith.index_cast %add3A_508 : i32 to index
      %get3A_510 = tpu.vector_load %arg6[%get3A_509] {strides = array<i32>} : memref<528xi32, #tpu.memory_space<vmem>>, vector<16xi32>,
      %slice3A_511 = vector.extract_strided_slice %get3A_510 {offsets = [0], sizes = [1], strides = [1]} : vector<16xi32> to vector<1xi32>
      %squeeze3A_512 = vector.extract %slice3A_511[0] : i32 from vector<1xi32>
      %shift_right_arithmetic3A_513 = arith.constant 7 : i32
      %shift_right_arithmetic3A_514 = arith.shrsi %squeeze3A_512, %shift_right_arithmetic3A_513 : i32
      %mul3A_515 = arith.constant 128 : i32
      %mul3A_516 = arith.muli %shift_right_arithmetic3A_514, %mul3A_515 : i32
      %min3A_517 = arith.constant 999808 : i32
      %min3A_518 = arith.minsi %mul3A_516, %min3A_517 : i32
      %multiple_of3A_519 = tpu.assume_multiple %min3A_518, 128 : i32
      %dma_wait3A_520 = arith.constant 4 : i32
      %dma_wait3A_521 = arith.constant 0 : i32
      %dma_wait3A_522 = arith.constant 0 : i32
      %dma_wait3A_523 = tpu.memref_slice %arg7[%and3A_209, %dma_wait3A_520, %dma_wait3A_521, %dma_wait3A_522] : memref<2x8x32x128xf32, #tpu.memory_space<vmem>> -> memref<1x1x32x128xf32, #tpu.memory_space<vmem>>
      %dma_wait3A_524 = tpu.memref_squeeze %dma_wait3A_523 : memref<1x1x32x128xf32, #tpu.memory_space<vmem>> -> memref<32x128xf32, #tpu.memory_space<vmem>>
      %dma_wait3A_525 = arith.constant 0 : i32
      %dma_wait3A_526 = tpu.memref_slice %arg2[%dma_wait3A_525, %multiple_of3A_519] : memref<32x1000000xf32, #tpu.memory_space<hbm>> -> memref<32x128xf32, #tpu.memory_space<hbm>>
      %dma_wait3A_527 = arith.constant 0 : i32
      %dma_wait3A_528 = arith.constant 0 : i32
      %dma_wait3A_529 = tpu.memref_slice %arg7[%and3A_209, %dma_wait3A_520, %dma_wait3A_527, %dma_wait3A_528] : memref<2x8x32x128xf32, #tpu.memory_space<vmem>> -> memref<1x1x32x128xf32, #tpu.memory_space<vmem>>
      %dma_wait3A_530 = tpu.memref_squeeze %dma_wait3A_529 : memref<1x1x32x128xf32, #tpu.memory_space<vmem>> -> memref<32x128xf32, #tpu.memory_space<vmem>>
      %dma_wait3A_531 = arith.constant 0 : i32
      %dma_wait3A_532 = tpu.memref_slice %arg2[%dma_wait3A_531, %multiple_of3A_519] : memref<32x1000000xf32, #tpu.memory_space<hbm>> -> memref<32x128xf32, #tpu.memory_space<hbm>>
      tpu.wait_dma2 semaphore(%arg11 : memref<!tpu.dma_semaphore, #tpu.memory_space<semaphore_mem>>) src(%dma_wait3A_532 : memref<32x128xf32, #tpu.memory_space<hbm>>) dst(%dma_wait3A_530 : memref<32x128xf32, #tpu.memory_space<vmem>>)
      %mul3A_533 = arith.constant 8 : i32
      %mul3A_534 = arith.muli %scan3A_208, %mul3A_533 : i32
      %add3A_535 = arith.constant 4 : i32
      %add3A_536 = arith.addi %mul3A_534, %add3A_535 : i32
      %sub3A_537 = arith.subi %squeeze3A_512, %multiple_of3A_519 : i32
      %min3A_538 = arith.constant 127 : i32
      %min3A_539 = arith.minsi %sub3A_537, %min3A_538 : i32
      %broadcast_in_dim3A_540 = vector.broadcast %and3A_209 : i32 to vector<16xi32>
      %broadcast_in_dim3A_541 = arith.constant 4 : i32
      %broadcast_in_dim3A_542 = vector.broadcast %broadcast_in_dim3A_541 : i32 to vector<16xi32>
      %broadcast_in_dim3A_543 = vector.broadcast %min3A_539 : i32 to vector<16xi32>
      %gather3A_544 = tpu.vector_load_idx %arg7[%broadcast_in_dim3A_540, %broadcast_in_dim3A_542, %iota3A, %broadcast_in_dim3A_543] : memref<2x8x32x128xf32, #tpu.memory_space<vmem>>[vector<16xi32>, vector<16xi32>, vector<16xi32>, vector<16xi32>], vector<16xf32>,
      %add3A_545 = arith.constant 16 : i32
      %add3A_546 = vector.broadcast %add3A_545 : i32 to vector<16xi32>
      %add3A_547 = arith.addi %iota3A, %add3A_546 : vector<16xi32>
      %gather3A_548 = tpu.vector_load_idx %arg7[%broadcast_in_dim3A_540, %broadcast_in_dim3A_542, %add3A_547, %broadcast_in_dim3A_543] : memref<2x8x32x128xf32, #tpu.memory_space<vmem>>[vector<16xi32>, vector<16xi32>, vector<16xi32>, vector<16xi32>], vector<16xf32>,
      %sub3A_549 = arith.constant 999936 : i32
      %sub3A_550 = arith.subi %squeeze3A_512, %sub3A_549 : i32
      %jit3A_551 = arith.constant 0 : i32
      %jit3A_552 = arith.constant 63 : i32
      %max3A_553 = arith.maxsi %jit3A_551, %sub3A_550 : i32
      %min3A_554 = arith.minsi %jit3A_552, %max3A_553 : i32
      %broadcast_in_dim3A_555 = vector.broadcast %min3A_554 : i32 to vector<16xi32>
      %gather3A_556 = tpu.vector_load_idx %arg9[%iota3A, %broadcast_in_dim3A_555] : memref<32x64xf32, #tpu.memory_space<vmem>>[vector<16xi32>, vector<16xi32>], vector<16xf32>,
      %add3A_557 = arith.constant 16 : i32
      %add3A_558 = vector.broadcast %add3A_557 : i32 to vector<16xi32>
      %add3A_559 = arith.addi %iota3A, %add3A_558 : vector<16xi32>
      %gather3A_560 = tpu.vector_load_idx %arg9[%add3A_559, %broadcast_in_dim3A_555] : memref<32x64xf32, #tpu.memory_space<vmem>>[vector<16xi32>, vector<16xi32>], vector<16xf32>,
      %ge3A_561 = arith.constant 999936 : i32
      %ge3A_562 = arith.cmpi sge, %squeeze3A_512, %ge3A_561 : i32
      %broadcast_in_dim3A_563 = vector.broadcast %ge3A_562 : i1 to vector<16xi1>
      %select_n3A_564 = arith.select %broadcast_in_dim3A_563, %gather3A_556, %gather3A_544 : vector<16xi1>, vector<16xf32>
      %select_n3A_565 = arith.select %broadcast_in_dim3A_563, %gather3A_560, %gather3A_548 : vector<16xi1>, vector<16xf32>
      %ne3A_566 = arith.constant 0 : i32
      %ne3A_567 = arith.cmpi ne, %squeeze3A_512, %ne3A_566 : i32
      %jit3A_568 = arith.constant 1.000000e+00 : f32
      %jit3A_569 = arith.constant 0.000000e+00 : f32
      %select_n3A_570 = arith.select %ne3A_567, %jit3A_568, %jit3A_569 : f32
      %broadcast_in_dim3A_571 = vector.broadcast %select_n3A_570 : f32 to vector<16xf32>
      %broadcast_in_dim3A_572 = vector.broadcast %add3A_536 : i32 to vector<16xi32>
      %mul3A_573 = arith.mulf %select_n3A_564, %broadcast_in_dim3A_571 : vector<16xf32>
      %add3A_574 = arith.addf %mul3A_573, %gather3A : vector<16xf32>
      tpu.vector_store_idx %arg10[%iota3A, %broadcast_in_dim3A_572], %add3A_574 : memref<32x512xf32, #tpu.memory_space<vmem>>[vector<16xi32>, vector<16xi32>], vector<16xf32>,
      %add3A_575 = arith.constant 16 : i32
      %add3A_576 = vector.broadcast %add3A_575 : i32 to vector<16xi32>
      %add3A_577 = arith.addi %iota3A, %add3A_576 : vector<16xi32>
      %mul3A_578 = arith.mulf %select_n3A_565, %broadcast_in_dim3A_571 : vector<16xf32>
      %add3A_579 = arith.addf %mul3A_578, %gather3A_9 : vector<16xf32>
      tpu.vector_store_idx %arg10[%add3A_577, %broadcast_in_dim3A_572], %add3A_579 : memref<32x512xf32, #tpu.memory_space<vmem>>[vector<16xi32>, vector<16xi32>], vector<16xf32>,
      %mul3A_580 = arith.constant 8 : i32
      %mul3A_581 = arith.muli %scan3A_208, %mul3A_580 : i32
      %add3A_582 = arith.constant 5 : i32
      %add3A_583 = arith.addi %mul3A_581, %add3A_582 : i32
      %get3A_584 = arith.index_cast %add3A_583 : i32 to index
      %get3A_585 = tpu.vector_load %arg6[%get3A_584] {strides = array<i32>} : memref<528xi32, #tpu.memory_space<vmem>>, vector<16xi32>,
      %slice3A_586 = vector.extract_strided_slice %get3A_585 {offsets = [0], sizes = [1], strides = [1]} : vector<16xi32> to vector<1xi32>
      %squeeze3A_587 = vector.extract %slice3A_586[0] : i32 from vector<1xi32>
      %shift_right_arithmetic3A_588 = arith.constant 7 : i32
      %shift_right_arithmetic3A_589 = arith.shrsi %squeeze3A_587, %shift_right_arithmetic3A_588 : i32
      %mul3A_590 = arith.constant 128 : i32
      %mul3A_591 = arith.muli %shift_right_arithmetic3A_589, %mul3A_590 : i32
      %min3A_592 = arith.constant 999808 : i32
      %min3A_593 = arith.minsi %mul3A_591, %min3A_592 : i32
      %multiple_of3A_594 = tpu.assume_multiple %min3A_593, 128 : i32
      %dma_wait3A_595 = arith.constant 5 : i32
      %dma_wait3A_596 = arith.constant 0 : i32
      %dma_wait3A_597 = arith.constant 0 : i32
      %dma_wait3A_598 = tpu.memref_slice %arg7[%and3A_209, %dma_wait3A_595, %dma_wait3A_596, %dma_wait3A_597] : memref<2x8x32x128xf32, #tpu.memory_space<vmem>> -> memref<1x1x32x128xf32, #tpu.memory_space<vmem>>
      %dma_wait3A_599 = tpu.memref_squeeze %dma_wait3A_598 : memref<1x1x32x128xf32, #tpu.memory_space<vmem>> -> memref<32x128xf32, #tpu.memory_space<vmem>>
      %dma_wait3A_600 = arith.constant 0 : i32
      %dma_wait3A_601 = tpu.memref_slice %arg2[%dma_wait3A_600, %multiple_of3A_594] : memref<32x1000000xf32, #tpu.memory_space<hbm>> -> memref<32x128xf32, #tpu.memory_space<hbm>>
      %dma_wait3A_602 = arith.constant 0 : i32
      %dma_wait3A_603 = arith.constant 0 : i32
      %dma_wait3A_604 = tpu.memref_slice %arg7[%and3A_209, %dma_wait3A_595, %dma_wait3A_602, %dma_wait3A_603] : memref<2x8x32x128xf32, #tpu.memory_space<vmem>> -> memref<1x1x32x128xf32, #tpu.memory_space<vmem>>
      %dma_wait3A_605 = tpu.memref_squeeze %dma_wait3A_604 : memref<1x1x32x128xf32, #tpu.memory_space<vmem>> -> memref<32x128xf32, #tpu.memory_space<vmem>>
      %dma_wait3A_606 = arith.constant 0 : i32
      %dma_wait3A_607 = tpu.memref_slice %arg2[%dma_wait3A_606, %multiple_of3A_594] : memref<32x1000000xf32, #tpu.memory_space<hbm>> -> memref<32x128xf32, #tpu.memory_space<hbm>>
      tpu.wait_dma2 semaphore(%arg11 : memref<!tpu.dma_semaphore, #tpu.memory_space<semaphore_mem>>) src(%dma_wait3A_607 : memref<32x128xf32, #tpu.memory_space<hbm>>) dst(%dma_wait3A_605 : memref<32x128xf32, #tpu.memory_space<vmem>>)
      %mul3A_608 = arith.constant 8 : i32
      %mul3A_609 = arith.muli %scan3A_208, %mul3A_608 : i32
      %add3A_610 = arith.constant 5 : i32
      %add3A_611 = arith.addi %mul3A_609, %add3A_610 : i32
      %sub3A_612 = arith.subi %squeeze3A_587, %multiple_of3A_594 : i32
      %min3A_613 = arith.constant 127 : i32
      %min3A_614 = arith.minsi %sub3A_612, %min3A_613 : i32
      %broadcast_in_dim3A_615 = vector.broadcast %and3A_209 : i32 to vector<16xi32>
      %broadcast_in_dim3A_616 = arith.constant 5 : i32
      %broadcast_in_dim3A_617 = vector.broadcast %broadcast_in_dim3A_616 : i32 to vector<16xi32>
      %broadcast_in_dim3A_618 = vector.broadcast %min3A_614 : i32 to vector<16xi32>
      %gather3A_619 = tpu.vector_load_idx %arg7[%broadcast_in_dim3A_615, %broadcast_in_dim3A_617, %iota3A, %broadcast_in_dim3A_618] : memref<2x8x32x128xf32, #tpu.memory_space<vmem>>[vector<16xi32>, vector<16xi32>, vector<16xi32>, vector<16xi32>], vector<16xf32>,
      %add3A_620 = arith.constant 16 : i32
      %add3A_621 = vector.broadcast %add3A_620 : i32 to vector<16xi32>
      %add3A_622 = arith.addi %iota3A, %add3A_621 : vector<16xi32>
      %gather3A_623 = tpu.vector_load_idx %arg7[%broadcast_in_dim3A_615, %broadcast_in_dim3A_617, %add3A_622, %broadcast_in_dim3A_618] : memref<2x8x32x128xf32, #tpu.memory_space<vmem>>[vector<16xi32>, vector<16xi32>, vector<16xi32>, vector<16xi32>], vector<16xf32>,
      %sub3A_624 = arith.constant 999936 : i32
      %sub3A_625 = arith.subi %squeeze3A_587, %sub3A_624 : i32
      %jit3A_626 = arith.constant 0 : i32
      %jit3A_627 = arith.constant 63 : i32
      %max3A_628 = arith.maxsi %jit3A_626, %sub3A_625 : i32
      %min3A_629 = arith.minsi %jit3A_627, %max3A_628 : i32
      %broadcast_in_dim3A_630 = vector.broadcast %min3A_629 : i32 to vector<16xi32>
      %gather3A_631 = tpu.vector_load_idx %arg9[%iota3A, %broadcast_in_dim3A_630] : memref<32x64xf32, #tpu.memory_space<vmem>>[vector<16xi32>, vector<16xi32>], vector<16xf32>,
      %add3A_632 = arith.constant 16 : i32
      %add3A_633 = vector.broadcast %add3A_632 : i32 to vector<16xi32>
      %add3A_634 = arith.addi %iota3A, %add3A_633 : vector<16xi32>
      %gather3A_635 = tpu.vector_load_idx %arg9[%add3A_634, %broadcast_in_dim3A_630] : memref<32x64xf32, #tpu.memory_space<vmem>>[vector<16xi32>, vector<16xi32>], vector<16xf32>,
      %ge3A_636 = arith.constant 999936 : i32
      %ge3A_637 = arith.cmpi sge, %squeeze3A_587, %ge3A_636 : i32
      %broadcast_in_dim3A_638 = vector.broadcast %ge3A_637 : i1 to vector<16xi1>
      %select_n3A_639 = arith.select %broadcast_in_dim3A_638, %gather3A_631, %gather3A_619 : vector<16xi1>, vector<16xf32>
      %select_n3A_640 = arith.select %broadcast_in_dim3A_638, %gather3A_635, %gather3A_623 : vector<16xi1>, vector<16xf32>
      %ne3A_641 = arith.constant 0 : i32
      %ne3A_642 = arith.cmpi ne, %squeeze3A_587, %ne3A_641 : i32
      %jit3A_643 = arith.constant 1.000000e+00 : f32
      %jit3A_644 = arith.constant 0.000000e+00 : f32
      %select_n3A_645 = arith.select %ne3A_642, %jit3A_643, %jit3A_644 : f32
      %broadcast_in_dim3A_646 = vector.broadcast %select_n3A_645 : f32 to vector<16xf32>
      %broadcast_in_dim3A_647 = vector.broadcast %add3A_611 : i32 to vector<16xi32>
      %mul3A_648 = arith.mulf %select_n3A_639, %broadcast_in_dim3A_646 : vector<16xf32>
      %add3A_649 = arith.addf %mul3A_648, %gather3A : vector<16xf32>
      tpu.vector_store_idx %arg10[%iota3A, %broadcast_in_dim3A_647], %add3A_649 : memref<32x512xf32, #tpu.memory_space<vmem>>[vector<16xi32>, vector<16xi32>], vector<16xf32>,
      %add3A_650 = arith.constant 16 : i32
      %add3A_651 = vector.broadcast %add3A_650 : i32 to vector<16xi32>
      %add3A_652 = arith.addi %iota3A, %add3A_651 : vector<16xi32>
      %mul3A_653 = arith.mulf %select_n3A_640, %broadcast_in_dim3A_646 : vector<16xf32>
      %add3A_654 = arith.addf %mul3A_653, %gather3A_9 : vector<16xf32>
      tpu.vector_store_idx %arg10[%add3A_652, %broadcast_in_dim3A_647], %add3A_654 : memref<32x512xf32, #tpu.memory_space<vmem>>[vector<16xi32>, vector<16xi32>], vector<16xf32>,
      %mul3A_655 = arith.constant 8 : i32
      %mul3A_656 = arith.muli %scan3A_208, %mul3A_655 : i32
      %add3A_657 = arith.constant 6 : i32
      %add3A_658 = arith.addi %mul3A_656, %add3A_657 : i32
      %get3A_659 = arith.index_cast %add3A_658 : i32 to index
      %get3A_660 = tpu.vector_load %arg6[%get3A_659] {strides = array<i32>} : memref<528xi32, #tpu.memory_space<vmem>>, vector<16xi32>,
      %slice3A_661 = vector.extract_strided_slice %get3A_660 {offsets = [0], sizes = [1], strides = [1]} : vector<16xi32> to vector<1xi32>
      %squeeze3A_662 = vector.extract %slice3A_661[0] : i32 from vector<1xi32>
      %shift_right_arithmetic3A_663 = arith.constant 7 : i32
      %shift_right_arithmetic3A_664 = arith.shrsi %squeeze3A_662, %shift_right_arithmetic3A_663 : i32
      %mul3A_665 = arith.constant 128 : i32
      %mul3A_666 = arith.muli %shift_right_arithmetic3A_664, %mul3A_665 : i32
      %min3A_667 = arith.constant 999808 : i32
      %min3A_668 = arith.minsi %mul3A_666, %min3A_667 : i32
      %multiple_of3A_669 = tpu.assume_multiple %min3A_668, 128 : i32
      %dma_wait3A_670 = arith.constant 6 : i32
      %dma_wait3A_671 = arith.constant 0 : i32
      %dma_wait3A_672 = arith.constant 0 : i32
      %dma_wait3A_673 = tpu.memref_slice %arg7[%and3A_209, %dma_wait3A_670, %dma_wait3A_671, %dma_wait3A_672] : memref<2x8x32x128xf32, #tpu.memory_space<vmem>> -> memref<1x1x32x128xf32, #tpu.memory_space<vmem>>
      %dma_wait3A_674 = tpu.memref_squeeze %dma_wait3A_673 : memref<1x1x32x128xf32, #tpu.memory_space<vmem>> -> memref<32x128xf32, #tpu.memory_space<vmem>>
      %dma_wait3A_675 = arith.constant 0 : i32
      %dma_wait3A_676 = tpu.memref_slice %arg2[%dma_wait3A_675, %multiple_of3A_669] : memref<32x1000000xf32, #tpu.memory_space<hbm>> -> memref<32x128xf32, #tpu.memory_space<hbm>>
      %dma_wait3A_677 = arith.constant 0 : i32
      %dma_wait3A_678 = arith.constant 0 : i32
      %dma_wait3A_679 = tpu.memref_slice %arg7[%and3A_209, %dma_wait3A_670, %dma_wait3A_677, %dma_wait3A_678] : memref<2x8x32x128xf32, #tpu.memory_space<vmem>> -> memref<1x1x32x128xf32, #tpu.memory_space<vmem>>
      %dma_wait3A_680 = tpu.memref_squeeze %dma_wait3A_679 : memref<1x1x32x128xf32, #tpu.memory_space<vmem>> -> memref<32x128xf32, #tpu.memory_space<vmem>>
      %dma_wait3A_681 = arith.constant 0 : i32
      %dma_wait3A_682 = tpu.memref_slice %arg2[%dma_wait3A_681, %multiple_of3A_669] : memref<32x1000000xf32, #tpu.memory_space<hbm>> -> memref<32x128xf32, #tpu.memory_space<hbm>>
      tpu.wait_dma2 semaphore(%arg11 : memref<!tpu.dma_semaphore, #tpu.memory_space<semaphore_mem>>) src(%dma_wait3A_682 : memref<32x128xf32, #tpu.memory_space<hbm>>) dst(%dma_wait3A_680 : memref<32x128xf32, #tpu.memory_space<vmem>>)
      %mul3A_683 = arith.constant 8 : i32
      %mul3A_684 = arith.muli %scan3A_208, %mul3A_683 : i32
      %add3A_685 = arith.constant 6 : i32
      %add3A_686 = arith.addi %mul3A_684, %add3A_685 : i32
      %sub3A_687 = arith.subi %squeeze3A_662, %multiple_of3A_669 : i32
      %min3A_688 = arith.constant 127 : i32
      %min3A_689 = arith.minsi %sub3A_687, %min3A_688 : i32
      %broadcast_in_dim3A_690 = vector.broadcast %and3A_209 : i32 to vector<16xi32>
      %broadcast_in_dim3A_691 = arith.constant 6 : i32
      %broadcast_in_dim3A_692 = vector.broadcast %broadcast_in_dim3A_691 : i32 to vector<16xi32>
      %broadcast_in_dim3A_693 = vector.broadcast %min3A_689 : i32 to vector<16xi32>
      %gather3A_694 = tpu.vector_load_idx %arg7[%broadcast_in_dim3A_690, %broadcast_in_dim3A_692, %iota3A, %broadcast_in_dim3A_693] : memref<2x8x32x128xf32, #tpu.memory_space<vmem>>[vector<16xi32>, vector<16xi32>, vector<16xi32>, vector<16xi32>], vector<16xf32>,
      %add3A_695 = arith.constant 16 : i32
      %add3A_696 = vector.broadcast %add3A_695 : i32 to vector<16xi32>
      %add3A_697 = arith.addi %iota3A, %add3A_696 : vector<16xi32>
      %gather3A_698 = tpu.vector_load_idx %arg7[%broadcast_in_dim3A_690, %broadcast_in_dim3A_692, %add3A_697, %broadcast_in_dim3A_693] : memref<2x8x32x128xf32, #tpu.memory_space<vmem>>[vector<16xi32>, vector<16xi32>, vector<16xi32>, vector<16xi32>], vector<16xf32>,
      %sub3A_699 = arith.constant 999936 : i32
      %sub3A_700 = arith.subi %squeeze3A_662, %sub3A_699 : i32
      %jit3A_701 = arith.constant 0 : i32
      %jit3A_702 = arith.constant 63 : i32
      %max3A_703 = arith.maxsi %jit3A_701, %sub3A_700 : i32
      %min3A_704 = arith.minsi %jit3A_702, %max3A_703 : i32
      %broadcast_in_dim3A_705 = vector.broadcast %min3A_704 : i32 to vector<16xi32>
      %gather3A_706 = tpu.vector_load_idx %arg9[%iota3A, %broadcast_in_dim3A_705] : memref<32x64xf32, #tpu.memory_space<vmem>>[vector<16xi32>, vector<16xi32>], vector<16xf32>,
      %add3A_707 = arith.constant 16 : i32
      %add3A_708 = vector.broadcast %add3A_707 : i32 to vector<16xi32>
      %add3A_709 = arith.addi %iota3A, %add3A_708 : vector<16xi32>
      %gather3A_710 = tpu.vector_load_idx %arg9[%add3A_709, %broadcast_in_dim3A_705] : memref<32x64xf32, #tpu.memory_space<vmem>>[vector<16xi32>, vector<16xi32>], vector<16xf32>,
      %ge3A_711 = arith.constant 999936 : i32
      %ge3A_712 = arith.cmpi sge, %squeeze3A_662, %ge3A_711 : i32
      %broadcast_in_dim3A_713 = vector.broadcast %ge3A_712 : i1 to vector<16xi1>
      %select_n3A_714 = arith.select %broadcast_in_dim3A_713, %gather3A_706, %gather3A_694 : vector<16xi1>, vector<16xf32>
      %select_n3A_715 = arith.select %broadcast_in_dim3A_713, %gather3A_710, %gather3A_698 : vector<16xi1>, vector<16xf32>
      %ne3A_716 = arith.constant 0 : i32
      %ne3A_717 = arith.cmpi ne, %squeeze3A_662, %ne3A_716 : i32
      %jit3A_718 = arith.constant 1.000000e+00 : f32
      %jit3A_719 = arith.constant 0.000000e+00 : f32
      %select_n3A_720 = arith.select %ne3A_717, %jit3A_718, %jit3A_719 : f32
      %broadcast_in_dim3A_721 = vector.broadcast %select_n3A_720 : f32 to vector<16xf32>
      %broadcast_in_dim3A_722 = vector.broadcast %add3A_686 : i32 to vector<16xi32>
      %mul3A_723 = arith.mulf %select_n3A_714, %broadcast_in_dim3A_721 : vector<16xf32>
      %add3A_724 = arith.addf %mul3A_723, %gather3A : vector<16xf32>
      tpu.vector_store_idx %arg10[%iota3A, %broadcast_in_dim3A_722], %add3A_724 : memref<32x512xf32, #tpu.memory_space<vmem>>[vector<16xi32>, vector<16xi32>], vector<16xf32>,
      %add3A_725 = arith.constant 16 : i32
      %add3A_726 = vector.broadcast %add3A_725 : i32 to vector<16xi32>
      %add3A_727 = arith.addi %iota3A, %add3A_726 : vector<16xi32>
      %mul3A_728 = arith.mulf %select_n3A_715, %broadcast_in_dim3A_721 : vector<16xf32>
      %add3A_729 = arith.addf %mul3A_728, %gather3A_9 : vector<16xf32>
      tpu.vector_store_idx %arg10[%add3A_727, %broadcast_in_dim3A_722], %add3A_729 : memref<32x512xf32, #tpu.memory_space<vmem>>[vector<16xi32>, vector<16xi32>], vector<16xf32>,
      %mul3A_730 = arith.constant 8 : i32
      %mul3A_731 = arith.muli %scan3A_208, %mul3A_730 : i32
      %add3A_732 = arith.constant 7 : i32
      %add3A_733 = arith.addi %mul3A_731, %add3A_732 : i32
      %get3A_734 = arith.index_cast %add3A_733 : i32 to index
      %get3A_735 = tpu.vector_load %arg6[%get3A_734] {strides = array<i32>} : memref<528xi32, #tpu.memory_space<vmem>>, vector<16xi32>,
      %slice3A_736 = vector.extract_strided_slice %get3A_735 {offsets = [0], sizes = [1], strides = [1]} : vector<16xi32> to vector<1xi32>
      %squeeze3A_737 = vector.extract %slice3A_736[0] : i32 from vector<1xi32>
      %shift_right_arithmetic3A_738 = arith.constant 7 : i32
      %shift_right_arithmetic3A_739 = arith.shrsi %squeeze3A_737, %shift_right_arithmetic3A_738 : i32
      %mul3A_740 = arith.constant 128 : i32
      %mul3A_741 = arith.muli %shift_right_arithmetic3A_739, %mul3A_740 : i32
      %min3A_742 = arith.constant 999808 : i32
      %min3A_743 = arith.minsi %mul3A_741, %min3A_742 : i32
      %multiple_of3A_744 = tpu.assume_multiple %min3A_743, 128 : i32
      %dma_wait3A_745 = arith.constant 7 : i32
      %dma_wait3A_746 = arith.constant 0 : i32
      %dma_wait3A_747 = arith.constant 0 : i32
      %dma_wait3A_748 = tpu.memref_slice %arg7[%and3A_209, %dma_wait3A_745, %dma_wait3A_746, %dma_wait3A_747] : memref<2x8x32x128xf32, #tpu.memory_space<vmem>> -> memref<1x1x32x128xf32, #tpu.memory_space<vmem>>
      %dma_wait3A_749 = tpu.memref_squeeze %dma_wait3A_748 : memref<1x1x32x128xf32, #tpu.memory_space<vmem>> -> memref<32x128xf32, #tpu.memory_space<vmem>>
      %dma_wait3A_750 = arith.constant 0 : i32
      %dma_wait3A_751 = tpu.memref_slice %arg2[%dma_wait3A_750, %multiple_of3A_744] : memref<32x1000000xf32, #tpu.memory_space<hbm>> -> memref<32x128xf32, #tpu.memory_space<hbm>>
      %dma_wait3A_752 = arith.constant 0 : i32
      %dma_wait3A_753 = arith.constant 0 : i32
      %dma_wait3A_754 = tpu.memref_slice %arg7[%and3A_209, %dma_wait3A_745, %dma_wait3A_752, %dma_wait3A_753] : memref<2x8x32x128xf32, #tpu.memory_space<vmem>> -> memref<1x1x32x128xf32, #tpu.memory_space<vmem>>
      %dma_wait3A_755 = tpu.memref_squeeze %dma_wait3A_754 : memref<1x1x32x128xf32, #tpu.memory_space<vmem>> -> memref<32x128xf32, #tpu.memory_space<vmem>>
      %dma_wait3A_756 = arith.constant 0 : i32
      %dma_wait3A_757 = tpu.memref_slice %arg2[%dma_wait3A_756, %multiple_of3A_744] : memref<32x1000000xf32, #tpu.memory_space<hbm>> -> memref<32x128xf32, #tpu.memory_space<hbm>>
      tpu.wait_dma2 semaphore(%arg11 : memref<!tpu.dma_semaphore, #tpu.memory_space<semaphore_mem>>) src(%dma_wait3A_757 : memref<32x128xf32, #tpu.memory_space<hbm>>) dst(%dma_wait3A_755 : memref<32x128xf32, #tpu.memory_space<vmem>>)
      %mul3A_758 = arith.constant 8 : i32
      %mul3A_759 = arith.muli %scan3A_208, %mul3A_758 : i32
      %add3A_760 = arith.constant 7 : i32
      %add3A_761 = arith.addi %mul3A_759, %add3A_760 : i32
      %sub3A_762 = arith.subi %squeeze3A_737, %multiple_of3A_744 : i32
      %min3A_763 = arith.constant 127 : i32
      %min3A_764 = arith.minsi %sub3A_762, %min3A_763 : i32
      %broadcast_in_dim3A_765 = vector.broadcast %and3A_209 : i32 to vector<16xi32>
      %broadcast_in_dim3A_766 = arith.constant 7 : i32
      %broadcast_in_dim3A_767 = vector.broadcast %broadcast_in_dim3A_766 : i32 to vector<16xi32>
      %broadcast_in_dim3A_768 = vector.broadcast %min3A_764 : i32 to vector<16xi32>
      %gather3A_769 = tpu.vector_load_idx %arg7[%broadcast_in_dim3A_765, %broadcast_in_dim3A_767, %iota3A, %broadcast_in_dim3A_768] : memref<2x8x32x128xf32, #tpu.memory_space<vmem>>[vector<16xi32>, vector<16xi32>, vector<16xi32>, vector<16xi32>], vector<16xf32>,
      %add3A_770 = arith.constant 16 : i32
      %add3A_771 = vector.broadcast %add3A_770 : i32 to vector<16xi32>
      %add3A_772 = arith.addi %iota3A, %add3A_771 : vector<16xi32>
      %gather3A_773 = tpu.vector_load_idx %arg7[%broadcast_in_dim3A_765, %broadcast_in_dim3A_767, %add3A_772, %broadcast_in_dim3A_768] : memref<2x8x32x128xf32, #tpu.memory_space<vmem>>[vector<16xi32>, vector<16xi32>, vector<16xi32>, vector<16xi32>], vector<16xf32>,
      %sub3A_774 = arith.constant 999936 : i32
      %sub3A_775 = arith.subi %squeeze3A_737, %sub3A_774 : i32
      %jit3A_776 = arith.constant 0 : i32
      %jit3A_777 = arith.constant 63 : i32
      %max3A_778 = arith.maxsi %jit3A_776, %sub3A_775 : i32
      %min3A_779 = arith.minsi %jit3A_777, %max3A_778 : i32
      %broadcast_in_dim3A_780 = vector.broadcast %min3A_779 : i32 to vector<16xi32>
      %gather3A_781 = tpu.vector_load_idx %arg9[%iota3A, %broadcast_in_dim3A_780] : memref<32x64xf32, #tpu.memory_space<vmem>>[vector<16xi32>, vector<16xi32>], vector<16xf32>,
      %add3A_782 = arith.constant 16 : i32
      %add3A_783 = vector.broadcast %add3A_782 : i32 to vector<16xi32>
      %add3A_784 = arith.addi %iota3A, %add3A_783 : vector<16xi32>
      %gather3A_785 = tpu.vector_load_idx %arg9[%add3A_784, %broadcast_in_dim3A_780] : memref<32x64xf32, #tpu.memory_space<vmem>>[vector<16xi32>, vector<16xi32>], vector<16xf32>,
      %ge3A_786 = arith.constant 999936 : i32
      %ge3A_787 = arith.cmpi sge, %squeeze3A_737, %ge3A_786 : i32
      %broadcast_in_dim3A_788 = vector.broadcast %ge3A_787 : i1 to vector<16xi1>
      %select_n3A_789 = arith.select %broadcast_in_dim3A_788, %gather3A_781, %gather3A_769 : vector<16xi1>, vector<16xf32>
      %select_n3A_790 = arith.select %broadcast_in_dim3A_788, %gather3A_785, %gather3A_773 : vector<16xi1>, vector<16xf32>
      %ne3A_791 = arith.constant 0 : i32
      %ne3A_792 = arith.cmpi ne, %squeeze3A_737, %ne3A_791 : i32
      %jit3A_793 = arith.constant 1.000000e+00 : f32
      %jit3A_794 = arith.constant 0.000000e+00 : f32
      %select_n3A_795 = arith.select %ne3A_792, %jit3A_793, %jit3A_794 : f32
      %broadcast_in_dim3A_796 = vector.broadcast %select_n3A_795 : f32 to vector<16xf32>
      %broadcast_in_dim3A_797 = vector.broadcast %add3A_761 : i32 to vector<16xi32>
      %mul3A_798 = arith.mulf %select_n3A_789, %broadcast_in_dim3A_796 : vector<16xf32>
      %add3A_799 = arith.addf %mul3A_798, %gather3A : vector<16xf32>
      tpu.vector_store_idx %arg10[%iota3A, %broadcast_in_dim3A_797], %add3A_799 : memref<32x512xf32, #tpu.memory_space<vmem>>[vector<16xi32>, vector<16xi32>], vector<16xf32>,
      %add3A_800 = arith.constant 16 : i32
      %add3A_801 = vector.broadcast %add3A_800 : i32 to vector<16xi32>
      %add3A_802 = arith.addi %iota3A, %add3A_801 : vector<16xi32>
      %mul3A_803 = arith.mulf %select_n3A_790, %broadcast_in_dim3A_796 : vector<16xf32>
      %add3A_804 = arith.addf %mul3A_803, %gather3A_9 : vector<16xf32>
      tpu.vector_store_idx %arg10[%add3A_802, %broadcast_in_dim3A_797], %add3A_804 : memref<32x512xf32, #tpu.memory_space<vmem>>[vector<16xi32>, vector<16xi32>], vector<16xf32>,
    }
    %scan3A_207 = arith.constant 64 : i32
    "tpu.region"() ({
      %run_scoped3A = tpu.sem_alloc : memref<!tpu.dma_semaphore, #tpu.memory_space<semaphore_mem>>
      %dma_start3A_208 = arith.constant 0 : i32
      %dma_start3A_209 = tpu.memref_slice %arg5[%dma_start3A_208, %mul3A_2] : memref<32x16384xf32, #tpu.memory_space<hbm>> -> memref<32x512xf32, #tpu.memory_space<hbm>>
      %dma_start3A_210 = arith.constant 0 : i32
      %dma_start3A_211 = tpu.memref_slice %arg5[%dma_start3A_210, %mul3A_2] : memref<32x16384xf32, #tpu.memory_space<hbm>> -> memref<32x512xf32, #tpu.memory_space<hbm>>
      tpu.enqueue_dma source(%arg10 : memref<32x512xf32, #tpu.memory_space<vmem>>) target(%dma_start3A_211 : memref<32x512xf32, #tpu.memory_space<hbm>>) target_semaphore(%run_scoped3A : memref<!tpu.dma_semaphore, #tpu.memory_space<semaphore_mem>>)
      %dma_wait3A = arith.constant 0 : i32
      %dma_wait3A_212 = tpu.memref_slice %arg5[%dma_wait3A, %mul3A_2] : memref<32x16384xf32, #tpu.memory_space<hbm>> -> memref<32x512xf32, #tpu.memory_space<hbm>>
      %dma_wait3A_213 = arith.constant 0 : i32
      %dma_wait3A_214 = tpu.memref_slice %arg5[%dma_wait3A_213, %mul3A_2] : memref<32x16384xf32, #tpu.memory_space<hbm>> -> memref<32x512xf32, #tpu.memory_space<hbm>>
      tpu.wait_dma2 semaphore(%run_scoped3A : memref<!tpu.dma_semaphore, #tpu.memory_space<semaphore_mem>>) src(%arg10 : memref<32x512xf32, #tpu.memory_space<vmem>>) dst(%dma_wait3A_214 : memref<32x512xf32, #tpu.memory_space<hbm>>)
      tpu.yield
    }) : () -> ()
    return
  }
}

</mosaic_0001>

<sc_bundles>
// kernel: kernel.3.cloned.1.call-start
scs
__scs_entry_jumppad:
0x0: {  	(pc) =	sbr.rel $0x88, $3  }
0x1: {  	(tag) =	ssettag $0x0;
	lr =	simm.s32 $0x1  }
0x2: {  	[smem:$0x3F9F] =	sst lr;
	_ =	strace $0xD0000000  }
0x3: {  	_ = 	snop  }
0x4: {  	_ = 	snop  }
0x5: {  	_ = 	snop  }
0x6: {  	_ = 	snop  }
0x7: {  	_ = 	snop  }
__scs_overlays_trampoline_lowered:
0x8: {  	[smem:$0x3FAE] =	sst s0  }
0x9: {  	[smem:$0x3FAF] =	sst s1  }
0xa: {  	[smem:$0x3FB0] =	sst s2  }
0xb: {  	[smem:$0x3FB1] =	sst s3  }
0xc: {  	[smem:$0x3FB2] =	sst s4  }
0xd: {  	[smem:$0x3FB3] =	sst s5  }
0xe: {  	[smem:$0x3FB4] =	sst s6  }
0xf: {  	[smem:$0x3FB5] =	sst s7  }
0x10: {  	[smem:$0x3FB6] =	sst s8  }
0x11: {  	[smem:$0x3FB7] =	sst s9;
	s0 =	simm.s32 @!p0 $0x0  }
0x12: {  	s1 =	sld [smem:$0x3F9D];
	s0 =	simm.s32 @p0 $0x1  }
0x13: {  	[smem:$0x3FB8] =	sst s0;
	s0 =	simm.s32 @!p1 $0x0  }
0x14: {  	s2 =	sld [smem:$0x3F9C];
	s0 =	simm.s32 @p1 $0x1  }
0x15: {  	[smem:$0x3FB9] =	sst s0;
	s0 =	simm.s32 @!p2 $0x0  }
0x16: {  	s3 =	sld [smem:$0x3FDB];
	s0 =	simm.s32 @p2 $0x1  }
0x17: {  	s4 =	simm.s32 $0x1BF5;
	[smem:$0x3FBB] =	sst s0  }
0x18: {  	s0 =	sld [smem:$0x3F9E];
	_ =	swait.ge [sflag:s4], $0x0  }
0x19: {  	s7 =	sld [smem:$0x3F9F]  }
0x1a: {  	s8 =	sadd.s32 $0xFFFFE003, lr  }
0x1b: {  	s9 =	sadd.s32 $0xFFFFFEF7, lr;
	s5 =	simm.s32 $0xFFFFFFFF;
	p2 =	slt.u32 s8, $0xFFFFF086  }
0x1c: {  	p1 =	slt.u32 s9, $0xF7A;
	s5 =	simm.s32 @!p2 $0x0  }
0x1d: {  	s5 =	simm.s32 @p1 $0x1;
	p0 =	seq.s32 s7, s2  }
0x1e: {  	s7 =	smul.u32 @!p0 $0xF7A, s2;
	p2 =	seq.s32 @!p0 s5, $0x0  }
0x1f: {  	s9 =	smul.u32 $0xF7A, s1;
	s8 =	simm.s32 @!p0 $0x1BF5;
	p2 =	por !p2, p0  }
0x20: {  	[sflag:s8] =	ssyncset.s32 @!p0 $0xFFFFF086;
	s6 =	sadd.s32 @!p0 s3, s7;
	s7 =	simm.s32 @!p0 $0x108  }
0x21: {  	s3 =	sadd.s32 s3, s9;
	s6 =	sadd.s32 @!p0 $0x88, s6;
	s7 =	simm.s32 @p2 $0x1082  }
0x22: {  	[simem:s7], [sflag:s8] =	dma.local @!p0 [hbm:s6], $0xF7A  }
0x23: {  	s9 =	sor.u32 $0xD0000000, s2;
	s6 =	simm.s32 $0x108;
	_ =	swait.ge @!p0 [sflag:s8], $0x0  }
0x24: {  	s3 =	sadd.s32 $0x88, s3;
	s6 =	simm.s32 @!p1 $0x1082;
	[sflag:s4] =	ssyncset.s32 $0xFFFFF086  }
0x25: {  	[simem:s6], [sflag:s4] =	dma.local [hbm:s3], $0xF7A  }
0x26: {  	[smem:$0x3F9F] =	sst s1;
	(tag) =	ssettag s2;
	_ =	strace s9  }
0x27: {  	s1 =	sld [smem:$0x3FAF]  }
0x28: {  	s2 =	sld [smem:$0x3FB0]  }
0x29: {  	s4 =	sld [smem:$0x3FB2]  }
0x2a: {  	p0 =	seq.s32 s5, $0x0;
	s5 =	sld [smem:$0x3FB3]  }
0x2b: {  	s6 =	sld [smem:$0x3FB4]  }
0x2c: {  	s7 =	sld [smem:$0x3FB5]  }
0x2d: {  	s3 =	simm.s32 $0x108;
	s8 =	sld [smem:$0x3FB6]  }
0x2e: {  	s3 =	simm.s32 @!p0 $0x1082;
	s9 =	sld [smem:$0x3FB7]  }
0x2f: {  	lr =	sadd.s32 s0, s3;
	s0 =	sld [smem:$0x3FAE]  }
0x30: {  	s3 =	sld [smem:$0x3FB1]  }
0x31: {  	[smem:$0x3FBA] =	sst s10  }
0x32: {  	s10 =	sld [smem:$0x3FB8];
	_ =	sdelay $0x3  }
0x33: {  	p0 =	seq.s32 s10, $0x1;
	s10 =	sld [smem:$0x3FBA];
	_ =	sdelay $0x3  }
0x34: {  	[smem:$0x3FBA] =	sst s10  }
0x35: {  	s10 =	sld [smem:$0x3FB9];
	_ =	sdelay $0x3  }
0x36: {  	p1 =	seq.s32 s10, $0x1;
	s10 =	sld [smem:$0x3FBA];
	_ =	sdelay $0x3  }
0x37: {  	[smem:$0x3FBA] =	sst s10  }
0x38: {  	s10 =	sld [smem:$0x3FBB]  }
0x39: {  	_ = 	snop;
	(pc) =	sbr.ind lr, $3  }
0x3a: {  	_ = 	snop  }
0x3b: {  	_ = 	snop  }
0x3c: {  	p2 =	seq.s32 s10, $0x1;
	s10 =	sld [smem:$0x3FBA]  }
0x3d: {  	_ =	shalt  }
0x3e: {  	_ =	shalt  }
0x3f: {  	_ =	shalt  }
0x40: {  	_ =	shalt  }
0x41: {  	_ =	shalt  }
0x42: {  	_ =	shalt  }
0x43: {  	_ =	shalt  }
0x44: {  	_ =	shalt  }
0x45: {  	_ =	shalt  }
0x46: {  	_ =	shalt  }
0x47: {  	_ =	shalt  }
0x48: {  	_ =	shalt  }
0x49: {  	_ =	shalt  }
0x4a: {  	_ =	shalt  }
0x4b: {  	_ =	shalt  }
0x4c: {  	_ =	shalt  }
0x4d: {  	_ =	shalt  }
0x4e: {  	_ =	shalt  }
0x4f: {  	_ =	shalt  }
0x50: {  	_ =	shalt  }
0x51: {  	_ =	shalt  }
0x52: {  	_ =	shalt  }
0x53: {  	_ =	shalt  }
0x54: {  	_ =	shalt  }
0x55: {  	_ =	shalt  }
0x56: {  	_ =	shalt  }
0x57: {  	_ =	shalt  }
0x58: {  	_ =	shalt  }
0x59: {  	_ =	shalt  }
0x5a: {  	_ =	shalt  }
0x5b: {  	_ =	shalt  }
0x5c: {  	_ =	shalt  }
0x5d: {  	_ =	shalt  }
0x5e: {  	_ =	shalt  }
0x5f: {  	_ =	shalt  }
0x60: {  	_ =	shalt  }
0x61: {  	_ =	shalt  }
0x62: {  	_ =	shalt  }
0x63: {  	_ =	shalt  }
0x64: {  	_ =	shalt  }
0x65: {  	_ =	shalt  }
0x66: {  	_ =	shalt  }
0x67: {  	_ =	shalt  }
0x68: {  	_ =	shalt  }
0x69: {  	_ =	shalt  }
0x6a: {  	_ =	shalt  }
0x6b: {  	_ =	shalt  }
0x6c: {  	_ =	shalt  }
0x6d: {  	_ =	shalt  }
0x6e: {  	_ =	shalt  }
0x6f: {  	_ =	shalt  }
0x70: {  	_ =	shalt  }
0x71: {  	_ =	shalt  }
0x72: {  	_ =	shalt  }
0x73: {  	_ =	shalt  }
0x74: {  	_ =	shalt  }
0x75: {  	_ =	shalt  }
0x76: {  	_ =	shalt  }
0x77: {  	_ =	shalt  }
0x78: {  	_ =	shalt  }
0x79: {  	_ =	shalt  }
0x7a: {  	_ =	shalt  }
0x7b: {  	_ =	shalt  }
0x7c: {  	_ =	shalt  }
0x7d: {  	_ =	shalt  }
0x7e: {  	_ =	shalt  }
0x7f: {  	_ =	shalt  }
0x80: {  	_ =	shalt  }
0x81: {  	_ =	shalt  }
0x82: {  	_ =	shalt  }
0x83: {  	_ =	shalt  }
0x84: {  	_ =	shalt  }
0x85: {  	_ =	shalt  }
0x86: {  	_ =	shalt  }
0x87: {  	_ =	shalt  }
.Lfunc_end0:
.L_simem_size_0:
called_computation_lowered:
.L_overlay_start_0:
0x88: {  	s2 =	sld [smem:$0x3FD9]  }
0x89: {  	s3 =	sld [smem:$0x3FFE];
	_ =	sdelay $0x1  }
0x8a: {  	s1 =	srdreg.scid  }
0x8b: {  	s0 =	sand.u32 $0x1, s1  }
0x8c: {  	s17 =	sshll.u32 s0, $0xA;
	s2 =	sadd.s32 s3, s2  }
0x8d: {  	s2 =	sadd.s32 s2, s17  }
0x8e: {  	[smem:$0x3FC6] =	sst s2  }
0x8f: {  	_ = 	snop  }
0x90: {  	s2 =	sld [smem:$0x3FC9]  }
0x91: {  	s18 =	sld [smem:$0x3FC8]  }
0x92: {  	s4 =	sld [smem:$0x3FD0];
	(tm) =	ssettm $0x1  }
0x93: {  	s5 =	sld [smem:$0x3FFB];
	_ =	sdelay $0x3  }
0x94: {  	_ =	strace s5  }
0x95: {  	s5 =	sld [smem:$0x3FFC];
	_ =	sdelay $0x3  }
0x96: {  	_ =	strace s5  }
0x97: {  	s5 =	sld [smem:$0x3FFD];
	_ =	sdelay $0x3  }
0x98: {  	_ =	strace s5  }
0x99: {  	_ =	strace $0x8FFFFFFF  }
0x9a: {  	s19 =	sld [smem:$0x3FDB];
	_ =	sdelay $0x1  }
0x9b: {  	s6 =	simm.s32 $_scs_section_size  }
0x9c: {  	s7 =	simm.s32 $_size__tile_overlayer_lowered;
	s8 =	simm.s32 $_tile_overlayer_lowered  }
0x9d: {  	s22 =	simm.s32 $0x1BFF;
	s21 =	sshll.u32 s8, $0x1;
	s5 =	sadd.s32 s6, s19  }
0x9e: {  	s9 =	simm.s32 $0x0;
	s20 =	sshll.u32 s7, $0x1;
	s7 =	sadd.s32 s21, s5  }
0x9f: {  	[timem:s9], [sflag:s22] =	dma.local [hbm:s7], s20  }
0xa0: {  	_ =	swait.ge [sflag:s22], s20  }
0xa1: {  	s6 =	ssub.s32 $0x0, s20;
	[sflag:s22] =	ssyncset.done $0x0  }
0xa2: {  	[sflag:s22] =	ssyncadd.s32 s6;
	_ =	sdelay $0x1  }
0xa3: {  	s23 =	simm.s32 $0x1B8B  }
0xa4: {  	_ =	swait.ge [sflag:s23], $0x1  }
0xa5: {  	[sflag:s23] =	ssyncset.done $0x0  }
0xa6: {  	s25 =	simm.s32 $0x1B8E;
	s24 =	sld [smem:$0x3FFE];
	[sflag:s23] =	ssyncadd.s32 $0xFFFFFFFF  }
0xa7: {  	s26 =	simm.s32 $execute0_lowered;
	[smem:$0x3FD2] =	sst s25  }
0xa8: {  	s7 =	sshll.u32 s26, $0x1;
	_ =	strace $0x80000046;
	[dreg:$0x1] =	wrdreg $0xFFFFFFFF  }
0xa9: {  	s28 =	simm.s32 $_size_execute0_lowered;
	s5 =	sadd.s32 s5, s7;
	[dreg:$0x0] =	wrdreg $0x0  }
0xaa: {  	s7 =	sshll.u32 s28, $0x1;
	[dreg:$0x2] =	wrdreg s5  }
0xab: {  	[dreg:$0x3] =	wrdreg s7  }
0xac: {  	[dreg:$0x4] =	wrdreg $0xC0  }
0xad: {  	_ =	task [dreg:s9], $0x5FFFF  }
0xae: {  	[dreg:$0x1] =	wrdreg $0xFFFFFFFF  }
0xaf: {  	[dreg:$0x0] =	wrdreg $0x60  }
0xb0: {  	[dreg:$0x2] =	wrdreg s18  }
0xb1: {  	[dreg:$0x3] =	wrdreg s24  }
0xb2: {  	[dreg:$0x4] =	wrdreg s2  }
0xb3: {  	[dreg:$0x5] =	wrdreg s4  }
0xb4: {  	[dreg:$0x6] =	wrdreg $0x9  }
0xb5: {  	_ =	task.clear_ibuf [dreg:s9], $0x7FFFF;
	_ =	strace $0x90000046  }
0xb6: {  	s29 =	simm.s32 $0x9;
	_ =	strace $0x80000048  }
0xb7: {  	_ =	swait.ge [sflag:s29], $0x1  }
0xb8: {  	[sflag:s29] =	ssyncadd.s32 $0xFFFFFFFF  }
0xb9: {  	_ =	strace $0x90000048  }
0xba: {  	_ =	sfence  }
0xbb: {  	s30 =	sld [smem:$0x0];
	_ =	sdelay $0x2  }
0xbc: {  	s31 =	sshll.u32 s1, $0xD;
	s1 =	sshrl.u32 s1, $0x2  }
0xbd: {  	s3 =	sand.u32 $0x4000, s31;
	s1 =	sadd.s32 s1, s30  }
0xbe: {  	s0 =	sor.u32 s3, s0;
	s1 =	sshll.u32 s1, $0x11  }
0xbf: {  	s0 =	sor.u32 s1, s0  }
0xc0: {  	s0 =	sadd.s32 $0x8F2B, s0  }
0xc1: {  	[sflag:s0] =	ssyncadd.remote.s32 $0x1  }
0xc2: {  	_ =	sfence.sel $0xFFFF  }
0xc3: {  	[dreg:$0x0] =	wrdreg $0xFFFFFFFF;
	(pc) =	sbr.abs _section_cstart, $3  }
0xc4: {  	[dreg:$0x1] =	wrdreg $0xFFFFFFFF  }
0xc5: {  	_ =	task.clear_ibuf [dreg:s9], $0x2FFFF;
	_ =	strace $0x9FFFFFFF  }
0xc6: {  	(tm) =	ssettm $0x7FFFFFFF  }
0xc7: {  	_ =	shalt  }
tec
execute0_lowered:
.L_overlay_start_1:
0x0: {  	(tag) =	ssettag $0x1  }
0x1: {  	v0 =	vlaneseq.u32  }
0x2: {  	v1 =	vimm.s32 $0x1380;
	vm0 =	vcmask $0x300;
	vm1 =	vcmask $0x704  }
0x3: {  	v2 =	vimm.s32 $0x3380;
	vm2 =	vcmask $0xB08;
	vm4 =	vcmask $0xF0C  }
0x4: {  	vm5 =	vcmask $0x1310;
	vm6 =	vcmask $0x1714;
	vm7 =	vcmask $0x1B18  }
0x5: {  	vm8 =	vcmask $0x1F1C;
	vm9 =	vcmask $0x2320;
	vm10 =	vcmask $0x2724  }
0x6: {  	vm11 =	vcmask $0x2B28;
	vm12 =	vcmask $0x2F2C;
	vm13 =	vcmask $0x3330  }
0x7: {  	s0 =	rddreg [dreg:$0x0];
	vm14 =	vcmask $0x3734;
	v1 =	vsel vm0, $0x0, v1;
	v2 =	vsel vm0, $0x2000, v2  }
0x8: {  	s4 =	rddreg [dreg:$0x1];
	v0 =	vmul.u32 $0x80, v0;
	v1 =	vsel vm1, $0x80, v1;
	v2 =	vsel vm1, $0x2080, v2  }
0x9: {  	s5 =	rddreg [dreg:$0x2];
	vm15 =	vcmask $0x3B38;
	v1 =	vsel vm2, $0x100, v1;
	v2 =	vsel vm2, $0x2100, v2  }
0xa: {  	s6 =	rddreg [dreg:$0x3];
	v5 =	vor.u32 $0x1800, v0;
	v6 =	vor.u32 $0x2000, v0;
	v1 =	vsel vm4, $0x180, v1  }
0xb: {  	s2 =	simm.s32 $0x0;
	s7 =	srdreg.scid;
	s1 =	stileid.u32;
	v7 =	vor.u32 $0x2800, v0;
	v2 =	vsel vm4, $0x2180, v2;
	v1 =	vsel vm5, $0x200, v1  }
0xc: {  	s11 =	simm.s32 $0x10280;
	s12 =	simm.s32 $0x11280;
	s13 =	simm.s32 $0x280;
	v8 =	vor.u32 $0x3000, v0;
	v2 =	vsel vm5, $0x2200, v2;
	v1 =	vsel vm6, $0x280, v1  }
0xd: {  	s14 =	simm.s32 $0x1280;
	s15 =	simm.s32 $0x2280;
	s16 =	simm.s32 $0x3280;
	v9 =	vor.u32 $0x3800, v0;
	v2 =	vsel vm6, $0x2280, v2;
	v1 =	vsel vm7, $0x300, v1  }
0xe: {  	s17 =	simm.s32 $0x4280;
	s18 =	simm.s32 $0x5280;
	s19 =	simm.s32 $0x6280;
	v10 =	vor.u32 $0x4000, v0;
	v2 =	vsel vm7, $0x2300, v2;
	v1 =	vsel vm8, $0x380, v1  }
0xf: {  	s20 =	simm.s32 $0x7280;
	s21 =	simm.s32 $0x1;
	s22 =	simm.s32 $0x12280;
	v11 =	vor.u32 $0x4800, v0;
	v2 =	vsel vm8, $0x2380, v2;
	v1 =	vsel vm9, $0x1000, v1  }
0x10: {  	s23 =	simm.s32 $0x1000;
	s24 =	simm.s32 $0x20000;
	s25 =	simm.s32 $0x0;
	v12 =	vor.u32 $0x5000, v0;
	v2 =	vsel vm9, $0x3000, v2;
	v1 =	vsel vm10, $0x1080, v1  }
0x11: {  	[smem:$0x7FF] =	sst s2;
	s7 =	sand.u32 $0x1, s7;
	s9 =	sshll.u32 s1, $0xA;
	v13 =	vor.u32 $0x5800, v0;
	v2 =	vsel vm10, $0x3080, v2;
	v1 =	vsel vm11, $0x1100, v1  }
.Ltmp0:
0x12: {  	s8 =	ssub.s32 $0x2, s7;
	s7 =	sshll.u32 s7, $0x9;
	v14 =	vor.u32 $0x6000, v0;
	v2 =	vsel vm11, $0x3100, v2;
	v1 =	vsel vm12, $0x1180, v1;
	(pc) =	sbr.rel .LBB2_1-.Ltmp0, $4  }
0x13: {  	s4 =	sadd.s32 $0x400, s4;
	s10 =	sshrl.u32 s8, $0x1;
	s7 =	sor.u32 s7, s9;
	v15 =	vor.u32 $0x6800, v0;
	v2 =	vsel vm12, $0x3180, v2;
	v1 =	vsel vm13, $0x1200, v1  }
0x14: {  	_ =	strace $0x80000047;
	v16 =	vor.u32 $0x7000, v0;
	s8 =	ssub.s32 s8, s10;
	s9 =	sshrl.u32 s7, $0x3;
	v4 =	vsel vm13, $0x3200, v2;
	v3 =	vsel vm14, $0x1280, v1  }
0x15: {  	v17 =	vor.u32 $0x7800, v0;
	s6 =	sadd.s32 s6, s7;
	s10 =	simm.s32 $0x7A1400;
	s5 =	sadd.s32 s5, s9;
	v2 =	vsel vm15, $0x1300, v3;
	v3 =	vsel vm14, $0x3280, v4  }
0x16: {  	s7 =	smax.u32 s8, $0x1;
	s8 =	simm.s32 $0x2;
	s9 =	simm.s32 $0x400;
	v1 =	vor.u32 $0x800, v0;
	v4 =	vor.u32 $0x1000, v0;
	v3 =	vsel vm15, $0x3300, v3  }
.LBB2_5:
0x17: {  	s25 =	sadd.s32 $0x1, s25  }
0x18: {  	p0 =	sne.s32 s25, s7  }
.Ltmp1:
0x19: {  	_ = 	snop;
	(pc) =	sbr.rel @!p0 .LBB2_6-.Ltmp1, $4  }
0x1a: {  	[hbm4b:s6+s23] =	stream.strided.scatter [tilespmem:s22], [sflag:$0x2], $0x4000, s24, s23, $0x38;
	[tilespmem:$0x16280] =	vst v63  }
0x1b: {  	_ =	swait.ge [sflag:s8], $0x4000  }
0x1c: {  	[sflag:s8] =	ssyncset.done $0x0  }
0x1d: {  	[sflag:s8] =	ssyncadd.s32 $0xFFFFC000  }
.LBB2_1:
0x1e: {  	[tilespmem:s2], [sflag:$0x2] =	stream.linear.gather [hbm4b:s5+s2], $0x200, $0x38;
	[tilespmem:$0x16280] =	vst v63  }
0x1f: {  	_ =	swait.ge [sflag:s8], $0x200  }
0x20: {  	[sflag:s8] =	ssyncset.done $0x0  }
0x21: {  	[sflag:s8] =	ssyncadd.s32 $0xFFFFFE00  }
0x22: {  	[tilespmem:s11], [sflag:$0x2] =	stream.strided.gather [hbm4b:s0+s9], $0x1000, s10, s9, $0x38;
	[tilespmem:$0x16280] =	vst v63  }
0x23: {  	_ =	swait.ge [sflag:s8], $0x1000  }
0x24: {  	[sflag:s8] =	ssyncset.done $0x0  }
0x25: {  	[sflag:s8] =	ssyncadd.s32 $0xFFFFF000  }
0x26: {  	[tilespmem:s12], [sflag:$0x2] =	stream.linear.gather [hbm4b:s4+s2], $0x1000, $0x38;
	[tilespmem:$0x16280] =	vst v63  }
0x27: {  	_ =	swait.ge [sflag:s8], $0x1000  }
0x28: {  	[sflag:s8] =	ssyncset.done $0x0  }
0x29: {  	[sflag:s8] =	ssyncadd.s32 $0xFFFFF000  }
0x2a: {  	v18 =	vld [tilespmem:$0x0];
	_ =	sdelay $0x4  }
0x2b: {  	(v2sf) =	vpush v18, $0x0;
	_ =	sdelay $0xe  }
0x2c: {  	s26 =	spop (v2sf)  }
0x2d: {  	s26 =	sand.u32 $0xFFFFFF80, s26  }
0x2e: {  	p0 =	slt.s32 s26, $0xF4180  }
0x2f: {  	s26 =	simm.s32 @!p0 $0xF4180  }
0x30: {  	v19 =	vld.idx.msk [tilespmem:v1+s11+$0x0], $0xffff;
	s26 =	sadd.s32 s0, s26  }
0x31: {  	v18 =	vld.idx.msk [tilespmem:v0+s11+$0x0], $0xffff;
	[tilespmem:s13], [sflag:$0x1] =	stream.strided.gather [hbm4b:s26+s9], $0x1000, s10, s9, $0x38  }
0x32: {  	v20 =	vld [tilespmem:$0x1];
	_ =	sdelay $0x4  }
0x33: {  	(v2sf) =	vpush v20, $0x0;
	_ =	sdelay $0xe  }
0x34: {  	s3 =	spop (v2sf)  }
0x35: {  	s26 =	sand.u32 $0xFFFFFF80, s3  }
0x36: {  	p0 =	slt.s32 s26, $0xF4180  }
0x37: {  	s26 =	simm.s32 @!p0 $0xF4180  }
0x38: {  	s26 =	sadd.s32 s0, s26  }
0x39: {  	[tilespmem:s14], [sflag:$0x1] =	stream.strided.gather [hbm4b:s26+s9], $0x1000, s10, s9, $0x38;
	[tilespmem:$0x16280] =	vst v63  }
0x3a: {  	v20 =	vld [tilespmem:$0x2];
	_ =	sdelay $0x4  }
0x3b: {  	(v2sf) =	vpush v20, $0x0;
	_ =	sdelay $0xe  }
0x3c: {  	s30 =	spop (v2sf)  }
0x3d: {  	s26 =	sand.u32 $0xFFFFFF80, s30  }
0x3e: {  	p0 =	slt.s32 s26, $0xF4180  }
0x3f: {  	s26 =	simm.s32 @!p0 $0xF4180  }
0x40: {  	s26 =	sadd.s32 s0, s26  }
0x41: {  	[tilespmem:s15], [sflag:$0x1] =	stream.strided.gather [hbm4b:s26+s9], $0x1000, s10, s9, $0x38;
	[tilespmem:$0x16280] =	vst v63  }
0x42: {  	v20 =	vld [tilespmem:$0x3];
	_ =	sdelay $0x4  }
0x43: {  	(v2sf) =	vpush v20, $0x0;
	_ =	sdelay $0xe  }
0x44: {  	s31 =	spop (v2sf)  }
0x45: {  	s26 =	sand.u32 $0xFFFFFF80, s31  }
0x46: {  	p0 =	slt.s32 s26, $0xF4180  }
0x47: {  	s26 =	simm.s32 @!p0 $0xF4180  }
0x48: {  	s26 =	sadd.s32 s0, s26  }
0x49: {  	[tilespmem:s16], [sflag:$0x1] =	stream.strided.gather [hbm4b:s26+s9], $0x1000, s10, s9, $0x38;
	[tilespmem:$0x16280] =	vst v63  }
0x4a: {  	v20 =	vld [tilespmem:$0x4];
	_ =	sdelay $0x4  }
0x4b: {  	(v2sf) =	vpush v20, $0x0;
	_ =	sdelay $0xe  }
0x4c: {  	s1 =	spop (v2sf)  }
0x4d: {  	s26 =	sand.u32 $0xFFFFFF80, s1  }
0x4e: {  	p0 =	slt.s32 s26, $0xF4180  }
0x4f: {  	s26 =	simm.s32 @!p0 $0xF4180  }
0x50: {  	s26 =	sadd.s32 s0, s26  }
0x51: {  	[tilespmem:s17], [sflag:$0x1] =	stream.strided.gather [hbm4b:s26+s9], $0x1000, s10, s9, $0x38;
	[tilespmem:$0x16280] =	vst v63  }
0x52: {  	v20 =	vld [tilespmem:$0x5];
	_ =	sdelay $0x4  }
0x53: {  	(v2sf) =	vpush v20, $0x0;
	_ =	sdelay $0xe  }
0x54: {  	s3 =	spop (v2sf)  }
0x55: {  	s26 =	sand.u32 $0xFFFFFF80, s3  }
0x56: {  	p0 =	slt.s32 s26, $0xF4180  }
0x57: {  	s26 =	simm.s32 @!p0 $0xF4180  }
0x58: {  	s26 =	sadd.s32 s0, s26  }
0x59: {  	[tilespmem:s18], [sflag:$0x1] =	stream.strided.gather [hbm4b:s26+s9], $0x1000, s10, s9, $0x38;
	[tilespmem:$0x16280] =	vst v63  }
0x5a: {  	v20 =	vld [tilespmem:$0x6];
	_ =	sdelay $0x4  }
0x5b: {  	(v2sf) =	vpush v20, $0x0;
	_ =	sdelay $0xe  }
0x5c: {  	s30 =	spop (v2sf)  }
0x5d: {  	s26 =	sand.u32 $0xFFFFFF80, s30  }
0x5e: {  	p0 =	slt.s32 s26, $0xF4180  }
0x5f: {  	s26 =	simm.s32 @!p0 $0xF4180  }
0x60: {  	s26 =	sadd.s32 s0, s26  }
0x61: {  	[tilespmem:s19], [sflag:$0x1] =	stream.strided.gather [hbm4b:s26+s9], $0x1000, s10, s9, $0x38;
	[tilespmem:$0x16280] =	vst v63  }
0x62: {  	v20 =	vld [tilespmem:$0x7];
	_ =	sdelay $0x4  }
0x63: {  	(v2sf) =	vpush v20, $0x0;
	_ =	sdelay $0xe  }
0x64: {  	s31 =	spop (v2sf)  }
0x65: {  	s26 =	sand.u32 $0xFFFFFF80, s31  }
.Ltmp2:
0x66: {  	p0 =	slt.s32 s26, $0xF4180;
	(pc) =	sbr.rel .LBB2_2-.Ltmp2, $4  }
0x67: {  	s26 =	simm.s32 @!p0 $0xF4180  }
0x68: {  	s26 =	sadd.s32 s0, s26  }
0x69: {  	[tilespmem:s20], [sflag:$0x1] =	stream.strided.gather [hbm4b:s26+s9], $0x1000, s10, s9, $0x38;
	[tilespmem:$0x16280] =	vst v63  }
0x6a: {  	s28 =	simm.s32 $0x8;
	s29 =	simm.s32 $0x0;
	s26 =	simm.s32 $0x7  }
.LBB2_4:
0x6b: {  	v20 =	vld [tilespmem:s28+$0xFFFFFFF8];
	_ =	sdelay $0x4  }
0x6c: {  	(v2sf) =	vpush v20, $0x0;
	_ =	sdelay $0xe  }
0x6d: {  	s1 =	spop (v2sf)  }
0x6e: {  	s3 =	sand.u32 $0xFFFFFF80, s1  }
0x6f: {  	p0 =	slt.s32 s3, $0xF4180  }
0x70: {  	s3 =	simm.s32 @!p0 $0xF4180  }
0x71: {  	s3 =	ssub.s32 s1, s3  }
0x72: {  	p0 =	slt.s32 s3, $0x7F  }
0x73: {  	s3 =	simm.s32 @!p0 $0x7F  }
0x74: {  	v20 =	vmov s3  }
0x75: {  	s30 =	sshll.u32 s30, $0xF;
	v21 =	vand.u32 $0xFFFFFF80, v20  }
0x76: {  	s3 =	sadd.s32 $0xFFF0BE00, s1;
	v20 =	vand.u32 $0x7F, v20;
	v21 =	vadd.s32 s30, v21  }
0x77: {  	p0 =	sgt.s32 s3, $0x0;
	v20 =	vor.u32 v20, v21  }
0x78: {  	s3 =	simm.s32 @!p0 $0x0;
	v21 =	vadd.s32 v0, v20  }
0x79: {  	s3 =	smin.u32 s3, $0x3F;
	v20 =	vadd.s32 v1, v20  }
0x7a: {  	_ =	swait.ge [sflag:s21], $0x1000;
	v22 =	vor.u32 s3, v0  }
0x7b: {  	[sflag:s21] =	ssyncset.done $0x0;
	v23 =	vor.u32 s3, v1  }
0x7c: {  	[sflag:s21] =	ssyncadd.s32 $0xFFFFF000  }
0x7d: {  	v21 =	vld.idx.msk [tilespmem:v21+s13+$0x0], $0xffff  }
0x7e: {  	v20 =	vld.idx.msk [tilespmem:v20+s13+$0x0], $0xffff  }
0x7f: {  	s31 =	sadd.s32 $0xFFFFFFF9, s26;
	v22 =	vld.idx.msk [tilespmem:v22+s12+$0x0], $0xffff  }
0x80: {  	v24 =	vmov s31;
	v23 =	vld.idx.msk [tilespmem:v23+s12+$0x0], $0xffff  }
0x81: {  	v25 =	vshll.u32 v24, $0x3  }
0x82: {  	v24 =	vand.u32 $0x78, v24;
	v25 =	vand.u32 $0xC00, v25  }
0x83: {  	v24 =	vor.u32 v24, v25;
	p4 =	sgt.s32 s1, $0xF41FF;
	p1 =	seq.s32 s1, $0x0;
	s1 =	simm.f32 $0.0e+00  }
0x84: {  	v50 =	vor.u32 v2, v24;
	s1 =	simm.s32 @!p1 $0x3F800000;
	v21 =	vpsel p4, v22, v21  }
0x85: {  	v51 =	vor.u32 v3, v24;
	v20 =	vpsel p4, v23, v20;
	v21 =	vmul.f32 s1, v21  }
0x86: {  	v20 =	vmul.f32 s1, v20  }
0x87: {  	v21 =	vadd.f32 v21, v18  }
0x88: {  	v20 =	vadd.f32 v20, v19  }
0x89: {  	[tilespmem:v50+s22+$0x0] =	vst.idx.msk $0xffff, v21  }
0x8a: {  	[tilespmem:v51+s22+$0x0] =	vst.idx.msk $0xffff, v20  }
0x8b: {  	v20 =	vld [tilespmem:s28+$0xFFFFFFF9];
	_ =	sdelay $0x4  }
0x8c: {  	(v2sf) =	vpush v20, $0x0;
	_ =	sdelay $0xe  }
0x8d: {  	s1 =	spop (v2sf)  }
0x8e: {  	s3 =	sand.u32 $0xFFFFFF80, s1  }
0x8f: {  	p0 =	slt.s32 s3, $0xF4180  }
0x90: {  	s3 =	simm.s32 @!p0 $0xF4180  }
0x91: {  	s3 =	ssub.s32 s1, s3  }
0x92: {  	p0 =	slt.s32 s3, $0x7F  }
0x93: {  	s3 =	simm.s32 @!p0 $0x7F  }
0x94: {  	v20 =	vmov s3  }
0x95: {  	v52 =	vand.u32 $0xFFFFFF80, v20  }
0x96: {  	s3 =	sadd.s32 $0xFFF0BE00, s1;
	v20 =	vand.u32 $0x7F, v20;
	v21 =	vadd.s32 s30, v52  }
0x97: {  	p0 =	sgt.s32 s3, $0x0;
	v20 =	vor.u32 v20, v21  }
0x98: {  	s3 =	simm.s32 @!p0 $0x0;
	v21 =	vadd.s32 v4, v20  }
0x99: {  	s3 =	smin.u32 s3, $0x3F;
	v20 =	vadd.s32 v5, v20  }
0x9a: {  	_ =	swait.ge [sflag:s21], $0x1000;
	v53 =	vor.u32 s3, v0  }
0x9b: {  	[sflag:s21] =	ssyncset.done $0x0;
	v54 =	vor.u32 s3, v1  }
0x9c: {  	[sflag:s21] =	ssyncadd.s32 $0xFFFFF000  }
0x9d: {  	v21 =	vld.idx.msk [tilespmem:v21+s13+$0x0], $0xffff  }
0x9e: {  	v20 =	vld.idx.msk [tilespmem:v20+s13+$0x0], $0xffff  }
0x9f: {  	s31 =	sadd.s32 $0xFFFFFFFA, s26;
	v22 =	vld.idx.msk [tilespmem:v53+s12+$0x0], $0xffff  }
0xa0: {  	v55 =	vmov s31;
	v23 =	vld.idx.msk [tilespmem:v54+s12+$0x0], $0xffff  }
0xa1: {  	v56 =	vshll.u32 v55, $0x3  }
0xa2: {  	v25 =	vand.u32 $0xC00, v56;
	v24 =	vand.u32 $0x79, v55  }
0xa3: {  	v24 =	vor.u32 v24, v25;
	p5 =	sgt.s32 s1, $0xF41FF;
	p1 =	seq.s32 s1, $0x0;
	s1 =	simm.f32 $0.0e+00  }
0xa4: {  	v57 =	vor.u32 v2, v24;
	s1 =	simm.s32 @!p1 $0x3F800000;
	v21 =	vpsel p5, v22, v21  }
0xa5: {  	v58 =	vor.u32 v3, v24;
	v20 =	vpsel p5, v23, v20;
	v21 =	vmul.f32 s1, v21  }
0xa6: {  	v20 =	vmul.f32 s1, v20  }
0xa7: {  	v21 =	vadd.f32 v21, v18  }
0xa8: {  	v20 =	vadd.f32 v20, v19  }
0xa9: {  	[tilespmem:v57+s22+$0x0] =	vst.idx.msk $0xffff, v21  }
0xaa: {  	[tilespmem:v58+s22+$0x0] =	vst.idx.msk $0xffff, v20  }
0xab: {  	v20 =	vld [tilespmem:s28+$0xFFFFFFFA];
	_ =	sdelay $0x4  }
0xac: {  	(v2sf) =	vpush v20, $0x0;
	_ =	sdelay $0xe  }
0xad: {  	s1 =	spop (v2sf)  }
0xae: {  	s3 =	sand.u32 $0xFFFFFF80, s1  }
0xaf: {  	p0 =	slt.s32 s3, $0xF4180  }
0xb0: {  	s3 =	simm.s32 @!p0 $0xF4180  }
0xb1: {  	s3 =	ssub.s32 s1, s3  }
0xb2: {  	p0 =	slt.s32 s3, $0x7F  }
0xb3: {  	s3 =	simm.s32 @!p0 $0x7F  }
0xb4: {  	v20 =	vmov s3  }
0xb5: {  	v59 =	vand.u32 $0xFFFFFF80, v20  }
0xb6: {  	s3 =	sadd.s32 $0xFFF0BE00, s1;
	v20 =	vand.u32 $0x7F, v20;
	v21 =	vadd.s32 s30, v59  }
0xb7: {  	p0 =	sgt.s32 s3, $0x0;
	v20 =	vor.u32 v20, v21  }
0xb8: {  	s3 =	simm.s32 @!p0 $0x0;
	v21 =	vadd.s32 v6, v20  }
0xb9: {  	s3 =	smin.u32 s3, $0x3F;
	v20 =	vadd.s32 v7, v20  }
0xba: {  	_ =	swait.ge [sflag:s21], $0x1000;
	v60 =	vor.u32 s3, v0  }
0xbb: {  	[sflag:s21] =	ssyncset.done $0x0;
	v61 =	vor.u32 s3, v1  }
0xbc: {  	[sflag:s21] =	ssyncadd.s32 $0xFFFFF000  }
0xbd: {  	v21 =	vld.idx.msk [tilespmem:v21+s13+$0x0], $0xffff  }
0xbe: {  	v20 =	vld.idx.msk [tilespmem:v20+s13+$0x0], $0xffff  }
0xbf: {  	s31 =	sadd.s32 $0xFFFFFFFB, s26;
	v22 =	vld.idx.msk [tilespmem:v60+s12+$0x0], $0xffff  }
0xc0: {  	v62 =	vmov s31;
	v23 =	vld.idx.msk [tilespmem:v61+s12+$0x0], $0xffff  }
0xc1: {  	v63 =	vshll.u32 v62, $0x3  }
0xc2: {  	v25 =	vand.u32 $0xC00, v63;
	v24 =	vand.u32 $0x7A, v62  }
0xc3: {  	v24 =	vor.u32 v24, v25;
	p6 =	sgt.s32 s1, $0xF41FF;
	p1 =	seq.s32 s1, $0x0;
	s1 =	simm.f32 $0.0e+00  }
0xc4: {  	v27 =	vor.u32 v2, v24;
	s1 =	simm.s32 @!p1 $0x3F800000;
	v21 =	vpsel p6, v22, v21  }
0xc5: {  	v28 =	vor.u32 v3, v24;
	v20 =	vpsel p6, v23, v20;
	v21 =	vmul.f32 s1, v21  }
0xc6: {  	v20 =	vmul.f32 s1, v20  }
0xc7: {  	v21 =	vadd.f32 v21, v18  }
0xc8: {  	v20 =	vadd.f32 v20, v19  }
0xc9: {  	[tilespmem:v27+s22+$0x0] =	vst.idx.msk $0xffff, v21  }
0xca: {  	[tilespmem:v28+s22+$0x0] =	vst.idx.msk $0xffff, v20  }
0xcb: {  	v20 =	vld [tilespmem:s28+$0xFFFFFFFB];
	_ =	sdelay $0x4  }
0xcc: {  	(v2sf) =	vpush v20, $0x0;
	_ =	sdelay $0xe  }
0xcd: {  	s1 =	spop (v2sf)  }
0xce: {  	s3 =	sand.u32 $0xFFFFFF80, s1  }
0xcf: {  	p0 =	slt.s32 s3, $0xF4180  }
0xd0: {  	s3 =	simm.s32 @!p0 $0xF4180  }
0xd1: {  	s3 =	ssub.s32 s1, s3  }
0xd2: {  	p0 =	slt.s32 s3, $0x7F  }
0xd3: {  	s3 =	simm.s32 @!p0 $0x7F  }
0xd4: {  	v20 =	vmov s3  }
0xd5: {  	v29 =	vand.u32 $0xFFFFFF80, v20  }
0xd6: {  	s3 =	sadd.s32 $0xFFF0BE00, s1;
	v20 =	vand.u32 $0x7F, v20;
	v21 =	vadd.s32 s30, v29  }
0xd7: {  	p0 =	sgt.s32 s3, $0x0;
	v20 =	vor.u32 v20, v21  }
0xd8: {  	s3 =	simm.s32 @!p0 $0x0;
	v21 =	vadd.s32 v8, v20  }
0xd9: {  	s3 =	smin.u32 s3, $0x3F;
	v20 =	vadd.s32 v9, v20  }
0xda: {  	_ =	swait.ge [sflag:s21], $0x1000;
	v30 =	vor.u32 s3, v0  }
0xdb: {  	[sflag:s21] =	ssyncset.done $0x0;
	v31 =	vor.u32 s3, v1  }
0xdc: {  	[sflag:s21] =	ssyncadd.s32 $0xFFFFF000  }
0xdd: {  	v21 =	vld.idx.msk [tilespmem:v21+s13+$0x0], $0xffff  }
0xde: {  	v20 =	vld.idx.msk [tilespmem:v20+s13+$0x0], $0xffff  }
0xdf: {  	s31 =	sadd.s32 $0xFFFFFFFC, s26;
	v22 =	vld.idx.msk [tilespmem:v30+s12+$0x0], $0xffff  }
0xe0: {  	v32 =	vmov s31;
	v23 =	vld.idx.msk [tilespmem:v31+s12+$0x0], $0xffff  }
0xe1: {  	v33 =	vshll.u32 v32, $0x3  }
0xe2: {  	v25 =	vand.u32 $0xC00, v33;
	v24 =	vand.u32 $0x7B, v32  }
0xe3: {  	v24 =	vor.u32 v24, v25;
	p2 =	sgt.s32 s1, $0xF41FF;
	p1 =	seq.s32 s1, $0x0;
	s1 =	simm.f32 $0.0e+00  }
0xe4: {  	v34 =	vor.u32 v2, v24;
	s1 =	simm.s32 @!p1 $0x3F800000;
	v21 =	vpsel p2, v22, v21  }
0xe5: {  	v35 =	vor.u32 v3, v24;
	v20 =	vpsel p2, v23, v20;
	v21 =	vmul.f32 s1, v21  }
0xe6: {  	v20 =	vmul.f32 s1, v20  }
0xe7: {  	v21 =	vadd.f32 v21, v18  }
0xe8: {  	v20 =	vadd.f32 v20, v19  }
0xe9: {  	[tilespmem:v34+s22+$0x0] =	vst.idx.msk $0xffff, v21  }
0xea: {  	[tilespmem:v35+s22+$0x0] =	vst.idx.msk $0xffff, v20  }
0xeb: {  	v20 =	vld [tilespmem:s28+$0xFFFFFFFC];
	_ =	sdelay $0x4  }
0xec: {  	(v2sf) =	vpush v20, $0x0;
	_ =	sdelay $0xe  }
0xed: {  	s1 =	spop (v2sf)  }
0xee: {  	s3 =	sand.u32 $0xFFFFFF80, s1  }
0xef: {  	p0 =	slt.s32 s3, $0xF4180  }
0xf0: {  	s3 =	simm.s32 @!p0 $0xF4180  }
0xf1: {  	s3 =	ssub.s32 s1, s3  }
0xf2: {  	p0 =	slt.s32 s3, $0x7F  }
0xf3: {  	s3 =	simm.s32 @!p0 $0x7F  }
0xf4: {  	v20 =	vmov s3  }
0xf5: {  	v36 =	vand.u32 $0xFFFFFF80, v20  }
0xf6: {  	s3 =	sadd.s32 $0xFFF0BE00, s1;
	v20 =	vand.u32 $0x7F, v20;
	v21 =	vadd.s32 s30, v36  }
0xf7: {  	p0 =	sgt.s32 s3, $0x0;
	v20 =	vor.u32 v20, v21  }
0xf8: {  	s3 =	simm.s32 @!p0 $0x0;
	v21 =	vadd.s32 v10, v20  }
0xf9: {  	s3 =	smin.u32 s3, $0x3F;
	v20 =	vadd.s32 v11, v20  }
0xfa: {  	_ =	swait.ge [sflag:s21], $0x1000;
	v37 =	vor.u32 s3, v0  }
0xfb: {  	[sflag:s21] =	ssyncset.done $0x0;
	v38 =	vor.u32 s3, v1  }
0xfc: {  	[sflag:s21] =	ssyncadd.s32 $0xFFFFF000  }
0xfd: {  	v21 =	vld.idx.msk [tilespmem:v21+s13+$0x0], $0xffff  }
0xfe: {  	v20 =	vld.idx.msk [tilespmem:v20+s13+$0x0], $0xffff  }
0xff: {  	s31 =	sadd.s32 $0xFFFFFFFD, s26;
	v22 =	vld.idx.msk [tilespmem:v37+s12+$0x0], $0xffff  }
0x100: {  	v39 =	vmov s31;
	v23 =	vld.idx.msk [tilespmem:v38+s12+$0x0], $0xffff  }
0x101: {  	v40 =	vshll.u32 v39, $0x3  }
0x102: {  	v25 =	vand.u32 $0xC00, v40;
	v24 =	vand.u32 $0x7C, v39  }
0x103: {  	v24 =	vor.u32 v24, v25;
	p3 =	sgt.s32 s1, $0xF41FF;
	p1 =	seq.s32 s1, $0x0;
	s1 =	simm.f32 $0.0e+00  }
0x104: {  	v41 =	vor.u32 v2, v24;
	s1 =	simm.s32 @!p1 $0x3F800000;
	v21 =	vpsel p3, v22, v21  }
0x105: {  	v42 =	vor.u32 v3, v24;
	v20 =	vpsel p3, v23, v20;
	v21 =	vmul.f32 s1, v21  }
0x106: {  	v20 =	vmul.f32 s1, v20  }
0x107: {  	v21 =	vadd.f32 v21, v18  }
0x108: {  	v20 =	vadd.f32 v20, v19  }
0x109: {  	[tilespmem:v41+s22+$0x0] =	vst.idx.msk $0xffff, v21  }
0x10a: {  	[tilespmem:v42+s22+$0x0] =	vst.idx.msk $0xffff, v20  }
0x10b: {  	v20 =	vld [tilespmem:s28+$0xFFFFFFFD];
	_ =	sdelay $0x4  }
0x10c: {  	(v2sf) =	vpush v20, $0x0;
	_ =	sdelay $0xe  }
0x10d: {  	s1 =	spop (v2sf)  }
0x10e: {  	s3 =	sand.u32 $0xFFFFFF80, s1  }
0x10f: {  	p0 =	slt.s32 s3, $0xF4180  }
0x110: {  	s3 =	simm.s32 @!p0 $0xF4180  }
0x111: {  	s3 =	ssub.s32 s1, s3  }
0x112: {  	p0 =	slt.s32 s3, $0x7F  }
0x113: {  	s3 =	simm.s32 @!p0 $0x7F  }
0x114: {  	v20 =	vmov s3  }
0x115: {  	v43 =	vand.u32 $0xFFFFFF80, v20  }
0x116: {  	s3 =	sadd.s32 $0xFFF0BE00, s1;
	v20 =	vand.u32 $0x7F, v20;
	v21 =	vadd.s32 s30, v43  }
0x117: {  	p0 =	sgt.s32 s3, $0x0;
	v20 =	vor.u32 v20, v21  }
0x118: {  	s3 =	simm.s32 @!p0 $0x0;
	v21 =	vadd.s32 v12, v20  }
0x119: {  	s3 =	smin.u32 s3, $0x3F;
	v20 =	vadd.s32 v13, v20  }
0x11a: {  	_ =	swait.ge [sflag:s21], $0x1000;
	v44 =	vor.u32 s3, v0  }
0x11b: {  	[sflag:s21] =	ssyncset.done $0x0;
	v45 =	vor.u32 s3, v1  }
0x11c: {  	[sflag:s21] =	ssyncadd.s32 $0xFFFFF000  }
0x11d: {  	v21 =	vld.idx.msk [tilespmem:v21+s13+$0x0], $0xffff  }
0x11e: {  	v20 =	vld.idx.msk [tilespmem:v20+s13+$0x0], $0xffff  }
0x11f: {  	s31 =	sadd.s32 $0xFFFFFFFE, s26;
	v22 =	vld.idx.msk [tilespmem:v44+s12+$0x0], $0xffff  }
0x120: {  	v46 =	vmov s31;
	v23 =	vld.idx.msk [tilespmem:v45+s12+$0x0], $0xffff  }
0x121: {  	v47 =	vshll.u32 v46, $0x3  }
0x122: {  	v25 =	vand.u32 $0xC00, v47;
	v24 =	vand.u32 $0x7D, v46  }
0x123: {  	v24 =	vor.u32 v24, v25;
	p4 =	sgt.s32 s1, $0xF41FF;
	p1 =	seq.s32 s1, $0x0;
	s1 =	simm.f32 $0.0e+00  }
0x124: {  	v48 =	vor.u32 v2, v24;
	s1 =	simm.s32 @!p1 $0x3F800000;
	v21 =	vpsel p4, v22, v21  }
0x125: {  	v49 =	vor.u32 v3, v24;
	v20 =	vpsel p4, v23, v20;
	v21 =	vmul.f32 s1, v21  }
0x126: {  	v20 =	vmul.f32 s1, v20  }
0x127: {  	v21 =	vadd.f32 v21, v18  }
0x128: {  	v20 =	vadd.f32 v20, v19  }
0x129: {  	[tilespmem:v48+s22+$0x0] =	vst.idx.msk $0xffff, v21  }
0x12a: {  	[tilespmem:v49+s22+$0x0] =	vst.idx.msk $0xffff, v20  }
0x12b: {  	v20 =	vld [tilespmem:s28+$0xFFFFFFFE];
	_ =	sdelay $0x4  }
0x12c: {  	(v2sf) =	vpush v20, $0x0;
	_ =	sdelay $0xe  }
0x12d: {  	s1 =	spop (v2sf)  }
0x12e: {  	s3 =	sand.u32 $0xFFFFFF80, s1  }
0x12f: {  	p0 =	slt.s32 s3, $0xF4180  }
0x130: {  	s3 =	simm.s32 @!p0 $0xF4180  }
0x131: {  	s3 =	ssub.s32 s1, s3  }
0x132: {  	p0 =	slt.s32 s3, $0x7F  }
0x133: {  	s3 =	simm.s32 @!p0 $0x7F  }
0x134: {  	v20 =	vmov s3  }
0x135: {  	v50 =	vand.u32 $0xFFFFFF80, v20  }
0x136: {  	s3 =	sadd.s32 $0xFFF0BE00, s1;
	v20 =	vand.u32 $0x7F, v20;
	v21 =	vadd.s32 s30, v50  }
0x137: {  	p0 =	sgt.s32 s3, $0x0;
	v20 =	vor.u32 v20, v21  }
0x138: {  	s3 =	simm.s32 @!p0 $0x0;
	v21 =	vadd.s32 v14, v20  }
0x139: {  	s3 =	smin.u32 s3, $0x3F;
	v20 =	vadd.s32 v15, v20  }
0x13a: {  	_ =	swait.ge [sflag:s21], $0x1000;
	v51 =	vor.u32 s3, v0  }
0x13b: {  	[sflag:s21] =	ssyncset.done $0x0;
	v52 =	vor.u32 s3, v1  }
0x13c: {  	[sflag:s21] =	ssyncadd.s32 $0xFFFFF000  }
0x13d: {  	v21 =	vld.idx.msk [tilespmem:v21+s13+$0x0], $0xffff  }
0x13e: {  	v20 =	vld.idx.msk [tilespmem:v20+s13+$0x0], $0xffff  }
0x13f: {  	s31 =	sadd.s32 $0xFFFFFFFF, s26;
	v22 =	vld.idx.msk [tilespmem:v51+s12+$0x0], $0xffff  }
0x140: {  	v53 =	vmov s31;
	v23 =	vld.idx.msk [tilespmem:v52+s12+$0x0], $0xffff  }
0x141: {  	v54 =	vshll.u32 v53, $0x3  }
0x142: {  	v24 =	vand.u32 $0x7E, v53;
	v25 =	vand.u32 $0xC00, v54  }
0x143: {  	v24 =	vor.u32 v24, v25;
	p5 =	sgt.s32 s1, $0xF41FF;
	p1 =	seq.s32 s1, $0x0;
	s1 =	simm.f32 $0.0e+00  }
0x144: {  	v55 =	vor.u32 v2, v24;
	s1 =	simm.s32 @!p1 $0x3F800000;
	v21 =	vpsel p5, v22, v21  }
0x145: {  	v56 =	vor.u32 v3, v24;
	v20 =	vpsel p5, v23, v20;
	v21 =	vmul.f32 s1, v21  }
0x146: {  	v20 =	vmul.f32 s1, v20  }
0x147: {  	v21 =	vadd.f32 v21, v18  }
0x148: {  	v20 =	vadd.f32 v20, v19  }
0x149: {  	[tilespmem:v55+s22+$0x0] =	vst.idx.msk $0xffff, v21  }
0x14a: {  	[tilespmem:v56+s22+$0x0] =	vst.idx.msk $0xffff, v20  }
0x14b: {  	v20 =	vld [tilespmem:s28+$0xFFFFFFFF];
	_ =	sdelay $0x4  }
0x14c: {  	(v2sf) =	vpush v20, $0x0;
	_ =	sdelay $0xe  }
0x14d: {  	s31 =	spop (v2sf)  }
0x14e: {  	s3 =	sand.u32 $0xFFFFFF80, s31  }
0x14f: {  	p0 =	slt.s32 s3, $0xF4180  }
0x150: {  	s3 =	simm.s32 @!p0 $0xF4180  }
0x151: {  	s3 =	ssub.s32 s31, s3  }
0x152: {  	p0 =	slt.s32 s3, $0x7F  }
0x153: {  	s3 =	simm.s32 @!p0 $0x7F  }
0x154: {  	v20 =	vmov s3  }
0x155: {  	v57 =	vand.u32 $0xFFFFFF80, v20  }
0x156: {  	s3 =	sadd.s32 $0xFFF0BE00, s31;
	v20 =	vand.u32 $0x7F, v20;
	v21 =	vadd.s32 s30, v57  }
0x157: {  	p0 =	sgt.s32 s3, $0x0;
	v20 =	vor.u32 v20, v21  }
0x158: {  	s3 =	simm.s32 @!p0 $0x0;
	v21 =	vadd.s32 v16, v20  }
0x159: {  	s3 =	smin.u32 s3, $0x3F;
	v20 =	vadd.s32 v17, v20  }
0x15a: {  	_ =	swait.ge [sflag:s21], $0x1000;
	v58 =	vor.u32 s3, v0  }
0x15b: {  	[sflag:s21] =	ssyncset.done $0x0;
	v59 =	vor.u32 s3, v1  }
0x15c: {  	[sflag:s21] =	ssyncadd.s32 $0xFFFFF000  }
0x15d: {  	v21 =	vld.idx.msk [tilespmem:v21+s13+$0x0], $0xffff  }
0x15e: {  	v20 =	vld.idx.msk [tilespmem:v20+s13+$0x0], $0xffff  }
0x15f: {  	v22 =	vld.idx.msk [tilespmem:v58+s12+$0x0], $0xffff  }
0x160: {  	v60 =	vmov s26;
	v23 =	vld.idx.msk [tilespmem:v59+s12+$0x0], $0xffff  }
0x161: {  	v61 =	vshll.u32 v60, $0x3  }
0x162: {  	v24 =	vand.u32 $0x7F, v60;
	v25 =	vand.u32 $0xC00, v61  }
0x163: {  	v24 =	vor.u32 v24, v25;
	s1 =	simm.f32 $0.0e+00;
	p6 =	sgt.s32 s31, $0xF41FF;
	p1 =	seq.s32 s31, $0x0  }
0x164: {  	s26 =	sadd.s32 $0x8, s26;
	v62 =	vor.u32 v2, v24;
	s1 =	simm.s32 @!p1 $0x3F800000;
	v21 =	vpsel p6, v22, v21  }
0x165: {  	v63 =	vor.u32 v3, v24;
	p0 =	sne.s32 s26, $0x207;
	v20 =	vpsel p6, v23, v20;
	v21 =	vmul.f32 s1, v21  }
.Ltmp3:
0x166: {  	v20 =	vmul.f32 s1, v20;
	(pc) =	sbr.rel @!p0 .LBB2_5-.Ltmp3, $4  }
0x167: {  	v21 =	vadd.f32 v21, v18  }
0x168: {  	v20 =	vadd.f32 v20, v19  }
0x169: {  	[tilespmem:v62+s22+$0x0] =	vst.idx.msk $0xffff, v21  }
0x16a: {  	s29 =	sadd.s32 $0x1, s29;
	s28 =	sadd.s32 $0x8, s28;
	[tilespmem:v63+s22+$0x0] =	vst.idx.msk $0xffff, v20  }
.LBB2_2:
0x16b: {  	p0 =	seq.s32 s26, $0x1FF  }
.Ltmp4:
0x16c: {  	_ = 	snop;
	(pc) =	sbr.rel @p0 .LBB2_4-.Ltmp4, $2  }
0x16d: {  	_ =	sdelay $0x2  }
0x16e: {  	s30 =	sand.u32 $0x1, s29  }
0x16f: {  	v20 =	vld [tilespmem:s28+$0x0];
	_ =	sdelay $0x4  }
0x170: {  	(v2sf) =	vpush v20, $0x0;
	_ =	sdelay $0xe  }
0x171: {  	s31 =	spop (v2sf)  }
0x172: {  	s1 =	sand.u32 $0xFFFFFF80, s31  }
0x173: {  	s31 =	sshll.u32 s30, $0xF;
	p0 =	slt.s32 s1, $0xF4180  }
0x174: {  	s3 =	sxor.u32 $0x8000, s31;
	s1 =	simm.s32 @!p0 $0xF4180  }
0x175: {  	s3 =	sor.u32 $0x280, s3;
	s1 =	sadd.s32 s0, s1  }
0x176: {  	[tilespmem:s3], [sflag:$0x1] =	stream.strided.gather [hbm4b:s1+s9], $0x1000, s10, s9, $0x38;
	[tilespmem:$0x16280] =	vst v63  }
0x177: {  	v20 =	vld [tilespmem:s28+$0x1];
	_ =	sdelay $0x4  }
0x178: {  	(v2sf) =	vpush v20, $0x0;
	_ =	sdelay $0xe  }
0x179: {  	s3 =	spop (v2sf)  }
0x17a: {  	s1 =	sand.u32 $0xFFFFFF80, s3  }
0x17b: {  	p0 =	slt.s32 s1, $0xF4180  }
0x17c: {  	s1 =	simm.s32 @!p0 $0xF4180  }
0x17d: {  	s3 =	sxor.u32 $0x9280, s31;
	s1 =	sadd.s32 s0, s1  }
0x17e: {  	[tilespmem:s3], [sflag:$0x1] =	stream.strided.gather [hbm4b:s1+s9], $0x1000, s10, s9, $0x38;
	[tilespmem:$0x16280] =	vst v63  }
0x17f: {  	v20 =	vld [tilespmem:s28+$0x2];
	_ =	sdelay $0x4  }
0x180: {  	(v2sf) =	vpush v20, $0x0;
	_ =	sdelay $0xe  }
0x181: {  	s3 =	spop (v2sf)  }
0x182: {  	s1 =	sand.u32 $0xFFFFFF80, s3  }
0x183: {  	p0 =	slt.s32 s1, $0xF4180  }
0x184: {  	s1 =	simm.s32 @!p0 $0xF4180  }
0x185: {  	s3 =	sxor.u32 $0xA280, s31;
	s1 =	sadd.s32 s0, s1  }
0x186: {  	[tilespmem:s3], [sflag:$0x1] =	stream.strided.gather [hbm4b:s1+s9], $0x1000, s10, s9, $0x38;
	[tilespmem:$0x16280] =	vst v63  }
0x187: {  	v20 =	vld [tilespmem:s28+$0x3];
	_ =	sdelay $0x4  }
0x188: {  	(v2sf) =	vpush v20, $0x0;
	_ =	sdelay $0xe  }
0x189: {  	s3 =	spop (v2sf)  }
0x18a: {  	s1 =	sand.u32 $0xFFFFFF80, s3  }
0x18b: {  	p0 =	slt.s32 s1, $0xF4180  }
0x18c: {  	s1 =	simm.s32 @!p0 $0xF4180  }
0x18d: {  	s3 =	sxor.u32 $0xB280, s31;
	s1 =	sadd.s32 s0, s1  }
0x18e: {  	[tilespmem:s3], [sflag:$0x1] =	stream.strided.gather [hbm4b:s1+s9], $0x1000, s10, s9, $0x38;
	[tilespmem:$0x16280] =	vst v63  }
0x18f: {  	v20 =	vld [tilespmem:s28+$0x4];
	_ =	sdelay $0x4  }
0x190: {  	(v2sf) =	vpush v20, $0x0;
	_ =	sdelay $0xe  }
0x191: {  	s3 =	spop (v2sf)  }
0x192: {  	s1 =	sand.u32 $0xFFFFFF80, s3  }
0x193: {  	p0 =	slt.s32 s1, $0xF4180  }
0x194: {  	s1 =	simm.s32 @!p0 $0xF4180  }
0x195: {  	s3 =	sxor.u32 $0xC280, s31;
	s1 =	sadd.s32 s0, s1  }
0x196: {  	[tilespmem:s3], [sflag:$0x1] =	stream.strided.gather [hbm4b:s1+s9], $0x1000, s10, s9, $0x38;
	[tilespmem:$0x16280] =	vst v63  }
0x197: {  	v20 =	vld [tilespmem:s28+$0x5];
	_ =	sdelay $0x4  }
0x198: {  	(v2sf) =	vpush v20, $0x0;
	_ =	sdelay $0xe  }
0x199: {  	s3 =	spop (v2sf)  }
0x19a: {  	s1 =	sand.u32 $0xFFFFFF80, s3  }
0x19b: {  	p0 =	slt.s32 s1, $0xF4180  }
0x19c: {  	s1 =	simm.s32 @!p0 $0xF4180  }
0x19d: {  	s3 =	sxor.u32 $0xD280, s31;
	s1 =	sadd.s32 s0, s1  }
0x19e: {  	[tilespmem:s3], [sflag:$0x1] =	stream.strided.gather [hbm4b:s1+s9], $0x1000, s10, s9, $0x38;
	[tilespmem:$0x16280] =	vst v63  }
0x19f: {  	v20 =	vld [tilespmem:s28+$0x6];
	_ =	sdelay $0x4  }
0x1a0: {  	(v2sf) =	vpush v20, $0x0;
	_ =	sdelay $0xe  }
0x1a1: {  	s3 =	spop (v2sf)  }
0x1a2: {  	s1 =	sand.u32 $0xFFFFFF80, s3  }
0x1a3: {  	p0 =	slt.s32 s1, $0xF4180  }
0x1a4: {  	s1 =	simm.s32 @!p0 $0xF4180  }
0x1a5: {  	s3 =	sxor.u32 $0xE280, s31;
	s1 =	sadd.s32 s0, s1  }
0x1a6: {  	[tilespmem:s3], [sflag:$0x1] =	stream.strided.gather [hbm4b:s1+s9], $0x1000, s10, s9, $0x38;
	[tilespmem:$0x16280] =	vst v63  }
0x1a7: {  	v20 =	vld [tilespmem:s28+$0x7];
	_ =	sdelay $0x4  }
0x1a8: {  	(v2sf) =	vpush v20, $0x0;
	_ =	sdelay $0xe  }
0x1a9: {  	s3 =	spop (v2sf)  }
.Ltmp5:
0x1aa: {  	s1 =	sand.u32 $0xFFFFFF80, s3;
	(pc) =	sbr.rel .LBB2_4-.Ltmp5, $4  }
0x1ab: {  	p0 =	slt.s32 s1, $0xF4180  }
0x1ac: {  	s1 =	simm.s32 @!p0 $0xF4180  }
0x1ad: {  	s31 =	sxor.u32 $0xF280, s31;
	s1 =	sadd.s32 s0, s1  }
0x1ae: {  	[tilespmem:s31], [sflag:$0x1] =	stream.strided.gather [hbm4b:s1+s9], $0x1000, s10, s9, $0x38;
	[tilespmem:$0x16280] =	vst v63  }
.LBB2_6:
0x1af: {  	_ =	sfence.sel $0x180000  }
0x1b0: {  	[bflag:$0x0] =	sbarrier.arrive $0xFFFF  }
0x1b1: {  	_ =	strace $0x90000047  }
0x1b2: {  	s0 =	stileid.u32;
	[bflag:$0x2] =	sbarrier.arrive $0xFFFF  }
0x1b3: {  	p0 =	sne.s32 s0, $0x0;
	s0 =	rddreg [dreg:$0x4]  }
0x1b4: {  	s0 =	sadd.s32 @!p0 $0x100000, s0  }
0x1b5: {  	[sflag:s0] =	ssyncadd.tile.s32 @!p0 $0x1;
	_ =	shalt  }
.Lfunc_end2:
_tile_overlayer_lowered:
.L_overlay_start_2:
0x1b6: {  	(tag) =	ssettag $0x2  }
0x1b7: {  	s0 =	rddreg [dreg:$0x0];
	s2 =	stileid.u32  }
0x1b8: {  	s1 =	rddreg [dreg:$0x1];
	p0 =	sne.s32 s2, $0x0  }
0x1b9: {  	s3 =	rddreg [dreg:$0x2];
	[bflag:$0x3] =	sbarrier.arrive $0xFFFF;
	s2 =	simm.s32 @!p0 $0x1C02  }
0x1ba: {  	[timem:s3], [sflag:s2] =	dma.local @!p0 [hbm:s0], s1  }
0x1bb: {  	s0 =	simm.s32 @!p0 $0x2  }
0x1bc: {  	_ =	swait.ge @!p0 [sflag:s0], s1  }
0x1bd: {  	s1 =	ssub.s32 @!p0 $0x0, s1;
	[sflag:s0] =	ssyncset.done @!p0 $0x0  }
0x1be: {  	[sflag:s0] =	ssyncadd.s32 @!p0 s1  }
0x1bf: {  	[bflag:$0x3] =	sbarrier.arrive $0xFFFF  }
0x1c0: {  	_ =	shalt  }

</sc_bundles>
